<compile_context>
chip_gen: v7x
topology: tpu7x:2x2x1
jax: 0.10.2.dev20260603
libtpu: 0.0.44.dev20260713+nightly
codegen_flags: <defaults>
</compile_context>

<pallas_src>
import functools

import jax
import jax.numpy as jnp
from jax import lax
from jax.experimental import pallas as pl
from jax.experimental.pallas import tpu as pltpu
from jax.experimental.pallas import tpu_sc as plsc

N_NODES = 10000
N_EDGES = 320000
F = 128
NC = 2
NS = 16
NW = NC * NS
EPW = N_EDGES // NW
CH = 80
NCHUNK = EPW // CH
N_PAD = 10240
RPS = N_PAD // NS
WB = 128
CNTW = 16

TB = 1000



def _tc1_body(x_ref, win_ref, bin_ref, w0_ref, h_ref, t0_ref):
    h = jnp.maximum(
        jnp.dot(x_ref[...], win_ref[...], preferred_element_type=jnp.float32)
        + bin_ref[...], 0.0)
    h_ref[...] = h
    t0_ref[...] = jnp.dot(h, w0_ref[...], preferred_element_type=jnp.float32)


def _tc1(x, W_in, b_in, W0):
    grid = (N_NODES // TB,)
    return pl.pallas_call(
        _tc1_body,
        grid=grid,
        in_specs=[
            pl.BlockSpec((TB, F), lambda i: (i, 0)),
            pl.BlockSpec((F, F), lambda i: (0, 0)),
            pl.BlockSpec((1, F), lambda i: (0, 0)),
            pl.BlockSpec((F, F), lambda i: (0, 0)),
        ],
        out_specs=[
            pl.BlockSpec((TB, F), lambda i: (i, 0)),
            pl.BlockSpec((TB, F), lambda i: (i, 0)),
        ],
        out_shape=[
            jax.ShapeDtypeStruct((N_NODES, F), jnp.float32),
            jax.ShapeDtypeStruct((N_NODES, F), jnp.float32),
        ],
    )(x, W_in, b_in, W0)


def _tc2_body(p_ref, c_ref, h_ref, b0_ref, w1_ref, t1_ref):
    acc = p_ref[0] + p_ref[1]
    cnt = c_ref[0] + c_ref[1]
    count = jnp.maximum(cnt[:, 0:1], 1.0)
    m = jnp.maximum(acc / count + b0_ref[...], 0.0)
    t1_ref[...] = jnp.dot(m + h_ref[...], w1_ref[...],
                          preferred_element_type=jnp.float32)


def _tc2(parts, cnts, h, b0, W1):
    grid = (N_NODES // TB,)
    return pl.pallas_call(
        _tc2_body,
        grid=grid,
        in_specs=[
            pl.BlockSpec((NC, TB, F), lambda i: (0, i, 0)),
            pl.BlockSpec((NC, TB, CNTW), lambda i: (0, i, 0)),
            pl.BlockSpec((TB, F), lambda i: (i, 0)),
            pl.BlockSpec((1, F), lambda i: (0, 0)),
            pl.BlockSpec((F, F), lambda i: (0, 0)),
        ],
        out_specs=pl.BlockSpec((TB, F), lambda i: (i, 0)),
        out_shape=jax.ShapeDtypeStruct((N_NODES, F), jnp.float32),
    )(parts, cnts, h, b0, W1)


def _tc3_body(p_ref, c_ref, b1_ref, o_ref):
    acc = p_ref[0] + p_ref[1]
    cnt = c_ref[0] + c_ref[1]
    count = jnp.maximum(cnt[:, 0:1], 1.0)
    m = acc / count + b1_ref[...]
    nrm = jnp.sqrt(jnp.sum(m * m, axis=1, keepdims=True))
    o_ref[...] = m / jnp.maximum(nrm, 1e-12)


def _tc3(parts, cnts, b1):
    grid = (N_NODES // TB,)
    return pl.pallas_call(
        _tc3_body,
        grid=grid,
        in_specs=[
            pl.BlockSpec((NC, TB, F), lambda i: (0, i, 0)),
            pl.BlockSpec((NC, TB, CNTW), lambda i: (0, i, 0)),
            pl.BlockSpec((1, F), lambda i: (0, 0)),
        ],
        out_specs=pl.BlockSpec((TB, F), lambda i: (i, 0)),
        out_shape=jax.ShapeDtypeStruct((N_NODES, F), jnp.float32),
    )(parts, cnts, b1)



def _sc_body(with_count, *refs):
    if with_count:
        (t_hbm, src_hbm, dst_hbm, out_hbm, cnt_hbm,
         srcv, dstv, rows, bounce, acc, sem, onesb, cbuf, cnt_sh) = refs
    else:
        (t_hbm, src_hbm, dst_hbm, out_hbm,
         srcv, dstv, rows, bounce, acc, sem) = refs

    cid = lax.axis_index("c")
    sid = lax.axis_index("s")
    wid = cid * NS + sid

    zeros16 = jnp.zeros((16,), jnp.float32)

    @pl.loop(0, WB)
    def _(r):
        for j in range(F // 16):
            bounce[r, pl.ds(j * 16, 16)] = zeros16

    @pl.loop(0, RPS // WB)
    def _(kk):
        pltpu.sync_copy(bounce, acc.at[pl.ds(sid * RPS + kk * WB, WB)])

    if with_count:
        ones16 = jnp.full((16,), 1.0, jnp.float32)

        @pl.loop(0, RPS)
        def _(r):
            cbuf[r, :] = zeros16

        @pl.loop(0, CH)
        def _(r):
            onesb[r, :] = ones16

        pltpu.sync_copy(cbuf, cnt_sh.at[pl.ds(sid * RPS, RPS)])

    plsc.subcore_barrier()

    base = wid * EPW

    @pl.loop(0, NCHUNK)
    def _(k):
        off = base + k * CH
        pltpu.sync_copy(src_hbm.at[pl.ds(off, CH)], srcv)
        pltpu.async_copy(t_hbm.at[srcv], rows, sem).wait()
        pltpu.sync_copy(dst_hbm.at[pl.ds(off, CH)], dstv)
        pltpu.sync_copy(rows, acc.at[dstv], add=True)
        if with_count:
            pltpu.sync_copy(onesb, cnt_sh.at[dstv], add=True)

    plsc.subcore_barrier()

    @pl.loop(0, RPS // WB)
    def _(kk):
        rr = sid * RPS + kk * WB
        pltpu.sync_copy(acc.at[pl.ds(rr, WB)], bounce)
        pltpu.sync_copy(bounce, out_hbm.at[pl.ds(cid * N_PAD + rr, WB)])

    if with_count:
        r0 = sid * RPS
        pltpu.sync_copy(cnt_sh.at[pl.ds(r0, RPS)], cbuf)
        pltpu.sync_copy(cbuf, cnt_hbm.at[pl.ds(cid * N_PAD + r0, RPS)])


def _sc_scatter(t, src, dst, with_count):
    mesh = plsc.VectorSubcoreMesh(core_axis_name="c", subcore_axis_name="s")
    out_type = [jax.ShapeDtypeStruct((NC * N_PAD, F), jnp.float32)]
    scratch = [
        pltpu.VMEM((CH,), jnp.int32),
        pltpu.VMEM((CH,), jnp.int32),
        pltpu.VMEM((CH, F), jnp.float32),
        pltpu.VMEM((WB, F), jnp.float32),
        pltpu.VMEM_SHARED((N_PAD, F), jnp.float32),
        pltpu.SemaphoreType.DMA,
    ]
    if with_count:
        out_type.append(jax.ShapeDtypeStruct((NC * N_PAD, CNTW), jnp.float32))
        scratch += [
            pltpu.VMEM((CH, CNTW), jnp.float32),
            pltpu.VMEM((RPS, CNTW), jnp.float32),
            pltpu.VMEM_SHARED((N_PAD, CNTW), jnp.float32),
        ]
    fn = pl.kernel(
        functools.partial(_sc_body, with_count),
        out_type=out_type,
        mesh=mesh,
        scratch_types=scratch,
        compiler_params=pltpu.CompilerParams(use_tc_tiling_on_sc=False),
    )
    return fn(t, src, dst)



def kernel(x, edge_index, W_in, b_in, W0, b0, W1, b1):
    src = edge_index[0]
    dst = edge_index[1]
    b_in2 = b_in.reshape(1, F)
    b02 = b0.reshape(1, F)
    b12 = b1.reshape(1, F)

    h, t0 = _tc1(x, W_in, b_in2, W0)

    part0_flat, cnt_flat = _sc_scatter(t0, src, dst, with_count=True)
    part0 = part0_flat.reshape(NC, N_PAD, F)
    cnts = cnt_flat.reshape(NC, N_PAD, CNTW)

    t1 = _tc2(part0, cnts, h, b02, W1)

    (part1_flat,) = _sc_scatter(t1, src, dst, with_count=False)
    part1 = part1_flat.reshape(NC, N_PAD, F)

    return _tc3(part1, cnts, b12)

# --- scband reference (transcript-rebuilt; emitter-appended) ---
"""Pipeline reference for scband-isnelayer-67379446940401 (READ-ONLY COPY).

The authoritative reference and input builder live on the scoring server;
editing this copy changes nothing except your own understanding.
"""

import jax, jax.numpy as jnp
import numpy as np

N_NODES = 10000
N_EDGES = 320000
IN_F = 128
HID_F = 128
OUT_F = 128


def _xavier_uniform(key, shape):
    fan_in, fan_out = shape[0], shape[1]
    limit = float(np.sqrt(6.0 / (fan_in + fan_out)))
    return jax.random.uniform(key, shape, jnp.float32, -limit, limit)


def setup_inputs(seed: int = 0) -> dict:
    key = jax.random.key(seed)
    ks = jax.random.split(key, 6)
    x = jax.random.normal(ks[0], (N_NODES, IN_F), jnp.float32)
    edge_index = jax.random.randint(ks[1], (2, N_EDGES), 0, N_NODES, dtype=jnp.int32)
    # input_projection (nn.Linear): store as [in, hidden] so x @ W_in matches torch x @ W.T
    W_in = _xavier_uniform(ks[2], (IN_F, HID_F))
    b_in = jnp.zeros((HID_F,), jnp.float32)
    # propagation layer 0: hidden -> hidden, relu activation
    W0 = _xavier_uniform(ks[3], (HID_F, HID_F))
    b0 = jnp.zeros((HID_F,), jnp.float32)
    # propagation layer 1: hidden -> out, no activation
    W1 = _xavier_uniform(ks[4], (HID_F, OUT_F))
    b1 = jnp.zeros((OUT_F,), jnp.float32)
    return {"x": x, "edge_index": edge_index, "W_in": W_in, "b_in": b_in,
            "W0": W0, "b0": b0, "W1": W1, "b1": b1}


def _scatter_mean(src, index, dim_size):
    out = jax.ops.segment_sum(src, index, num_segments=dim_size)
    ones = jnp.ones((index.shape[0],), src.dtype)
    count = jax.ops.segment_sum(ones, index, num_segments=dim_size)
    count = jnp.clip(count, 1.0)[:, None]
    return out / count


def reference(x, edge_index, W_in, b_in, W0, b0, W1, b1):
    n = x.shape[0]
    src = edge_index[0]
    dst = edge_index[1]
    # input projection + relu (dropout p=0 -> identity)
    h = jax.nn.relu(jnp.matmul(x, W_in) + b_in)
    h_prev = h
    # propagation layer 0 (relu activation, residual)
    t = jnp.matmul(h, W0)
    x_j = t[src]
    m = _scatter_mean(x_j, dst, n) + b0
    m = jax.nn.relu(m)
    h = m + h_prev
    # propagation layer 1 (no activation, no residual after last layer)
    t = jnp.matmul(h, W1)
    x_j = t[src]
    m = _scatter_mean(x_j, dst, n) + b1
    h = m
    # F.normalize(p=2, dim=1, eps=1e-12)
    norm = jnp.sqrt(jnp.sum(h * h, axis=1, keepdims=True))
    h = h / jnp.maximum(norm, 1e-12)
    return h

if __name__ == "__main__":
    import jax
    _d = setup_inputs()
    print(jax.jit(kernel)(*tuple(_d.values())))

</pallas_src>

<mosaic_0001>
#map = affine_map<(d0, d1) -> (0, 0)>
#map1 = affine_map<(d0, d1) -> (0)>
module attributes {stable_mosaic.version = 14 : i64} {
  func.func @_sc_body(%arg0: i32, %arg1: i32, %arg2: memref<10000x128xf32, #tpu.memory_space<hbm>>, %arg3: memref<320000xi32, #tpu.memory_space<hbm>>, %arg4: memref<320000xi32, #tpu.memory_space<hbm>>, %arg5: memref<20480x128xf32, #tpu.memory_space<hbm>>, %arg6: memref<20480x16xf32, #tpu.memory_space<hbm>>, %arg7: memref<80xi32, #tpu.memory_space<vmem>>, %arg8: memref<80xi32, #tpu.memory_space<vmem>>, %arg9: memref<80x128xf32, #tpu.memory_space<vmem>>, %arg10: memref<128x128xf32, #tpu.memory_space<vmem>>, %arg11: memref<10240x128xf32, #tpu.memory_space<vmem_shared>>, %arg12: memref<!tpu.dma_semaphore, #tpu.memory_space<semaphore_mem>>, %arg13: memref<80x16xf32, #tpu.memory_space<vmem>>, %arg14: memref<640x16xf32, #tpu.memory_space<vmem>>, %arg15: memref<10240x16xf32, #tpu.memory_space<vmem_shared>>) attributes {dimension_semantics = [#tpu.dimension_semantics<core_parallel>, #tpu.dimension_semantics<subcore_parallel>], iteration_bounds = array<i64: 2, 16>, scalar_prefetch = 0 : i64, scratch_operands = 9 : i64, tpu.core_type = #tpu.core_type<sc_vector_subcore>, window_params = [{transform_indices = #map}, {transform_indices = #map1}, {transform_indices = #map1}, {transform_indices = #map}, {transform_indices = #map}]} {
    %mul3A = arith.constant 16 : i32
    %mul3A_0 = arith.muli %arg0, %mul3A : i32
    %add3A = arith.addi %mul3A_0, %arg1 : i32
    %broadcast_in_dim3A = arith.constant 0.000000e+00 : f32
    %broadcast_in_dim3A_1 = vector.broadcast %broadcast_in_dim3A : f32 to vector<16xf32>
    %scan3A = arith.constant 0 : i32
    %scan3A_2 = arith.constant 128 : i32
    %scan3A_3 = arith.addi %scan3A, %scan3A_2 : i32
    %scan3A_4 = arith.constant 1 : i32
    scf.for %scan3A_43 = %scan3A to %scan3A_3 step %scan3A_4  : i32 {
      %mul3A_44 = arith.constant 1 : i32
      %mul3A_45 = arith.muli %scan3A_43, %mul3A_44 : i32
      %add3A_46 = arith.constant 0 : i32
      %add3A_47 = arith.addi %add3A_46, %mul3A_45 : i32
      %swap3A = arith.index_cast %add3A_47 : i32 to index
      %swap3A_48 = arith.constant 0 : index
      %swap3A_49 = tpu.vector_load %arg10[%swap3A, %swap3A_48] {strides = array<i32>} : memref<128x128xf32, #tpu.memory_space<vmem>>, vector<1x16xf32>,
      %swap3A_50 = vector.shape_cast %swap3A_49 : vector<1x16xf32> to vector<16xf32>
      %swap3A_51 = vector.shape_cast %broadcast_in_dim3A_1 : vector<16xf32> to vector<1x16xf32>
      tpu.vector_store %arg10[%swap3A, %swap3A_48], %swap3A_51 {strides = array<i32>} : memref<128x128xf32, #tpu.memory_space<vmem>>, vector<1x16xf32>,
      %swap3A_52 = arith.index_cast %add3A_47 : i32 to index
      %swap3A_53 = arith.constant 16 : index
      %swap3A_54 = tpu.vector_load %arg10[%swap3A_52, %swap3A_53] {strides = array<i32>} : memref<128x128xf32, #tpu.memory_space<vmem>>, vector<1x16xf32>,
      %swap3A_55 = vector.shape_cast %swap3A_54 : vector<1x16xf32> to vector<16xf32>
      %swap3A_56 = vector.shape_cast %broadcast_in_dim3A_1 : vector<16xf32> to vector<1x16xf32>
      tpu.vector_store %arg10[%swap3A_52, %swap3A_53], %swap3A_56 {strides = array<i32>} : memref<128x128xf32, #tpu.memory_space<vmem>>, vector<1x16xf32>,
      %swap3A_57 = arith.index_cast %add3A_47 : i32 to index
      %swap3A_58 = arith.constant 32 : index
      %swap3A_59 = tpu.vector_load %arg10[%swap3A_57, %swap3A_58] {strides = array<i32>} : memref<128x128xf32, #tpu.memory_space<vmem>>, vector<1x16xf32>,
      %swap3A_60 = vector.shape_cast %swap3A_59 : vector<1x16xf32> to vector<16xf32>
      %swap3A_61 = vector.shape_cast %broadcast_in_dim3A_1 : vector<16xf32> to vector<1x16xf32>
      tpu.vector_store %arg10[%swap3A_57, %swap3A_58], %swap3A_61 {strides = array<i32>} : memref<128x128xf32, #tpu.memory_space<vmem>>, vector<1x16xf32>,
      %swap3A_62 = arith.index_cast %add3A_47 : i32 to index
      %swap3A_63 = arith.constant 48 : index
      %swap3A_64 = tpu.vector_load %arg10[%swap3A_62, %swap3A_63] {strides = array<i32>} : memref<128x128xf32, #tpu.memory_space<vmem>>, vector<1x16xf32>,
      %swap3A_65 = vector.shape_cast %swap3A_64 : vector<1x16xf32> to vector<16xf32>
      %swap3A_66 = vector.shape_cast %broadcast_in_dim3A_1 : vector<16xf32> to vector<1x16xf32>
      tpu.vector_store %arg10[%swap3A_62, %swap3A_63], %swap3A_66 {strides = array<i32>} : memref<128x128xf32, #tpu.memory_space<vmem>>, vector<1x16xf32>,
      %swap3A_67 = arith.index_cast %add3A_47 : i32 to index
      %swap3A_68 = arith.constant 64 : index
      %swap3A_69 = tpu.vector_load %arg10[%swap3A_67, %swap3A_68] {strides = array<i32>} : memref<128x128xf32, #tpu.memory_space<vmem>>, vector<1x16xf32>,
      %swap3A_70 = vector.shape_cast %swap3A_69 : vector<1x16xf32> to vector<16xf32>
      %swap3A_71 = vector.shape_cast %broadcast_in_dim3A_1 : vector<16xf32> to vector<1x16xf32>
      tpu.vector_store %arg10[%swap3A_67, %swap3A_68], %swap3A_71 {strides = array<i32>} : memref<128x128xf32, #tpu.memory_space<vmem>>, vector<1x16xf32>,
      %swap3A_72 = arith.index_cast %add3A_47 : i32 to index
      %swap3A_73 = arith.constant 80 : index
      %swap3A_74 = tpu.vector_load %arg10[%swap3A_72, %swap3A_73] {strides = array<i32>} : memref<128x128xf32, #tpu.memory_space<vmem>>, vector<1x16xf32>,
      %swap3A_75 = vector.shape_cast %swap3A_74 : vector<1x16xf32> to vector<16xf32>
      %swap3A_76 = vector.shape_cast %broadcast_in_dim3A_1 : vector<16xf32> to vector<1x16xf32>
      tpu.vector_store %arg10[%swap3A_72, %swap3A_73], %swap3A_76 {strides = array<i32>} : memref<128x128xf32, #tpu.memory_space<vmem>>, vector<1x16xf32>,
      %swap3A_77 = arith.index_cast %add3A_47 : i32 to index
      %swap3A_78 = arith.constant 96 : index
      %swap3A_79 = tpu.vector_load %arg10[%swap3A_77, %swap3A_78] {strides = array<i32>} : memref<128x128xf32, #tpu.memory_space<vmem>>, vector<1x16xf32>,
      %swap3A_80 = vector.shape_cast %swap3A_79 : vector<1x16xf32> to vector<16xf32>
      %swap3A_81 = vector.shape_cast %broadcast_in_dim3A_1 : vector<16xf32> to vector<1x16xf32>
      tpu.vector_store %arg10[%swap3A_77, %swap3A_78], %swap3A_81 {strides = array<i32>} : memref<128x128xf32, #tpu.memory_space<vmem>>, vector<1x16xf32>,
      %swap3A_82 = arith.index_cast %add3A_47 : i32 to index
      %swap3A_83 = arith.constant 112 : index
      %swap3A_84 = tpu.vector_load %arg10[%swap3A_82, %swap3A_83] {strides = array<i32>} : memref<128x128xf32, #tpu.memory_space<vmem>>, vector<1x16xf32>,
      %swap3A_85 = vector.shape_cast %swap3A_84 : vector<1x16xf32> to vector<16xf32>
      %swap3A_86 = vector.shape_cast %broadcast_in_dim3A_1 : vector<16xf32> to vector<1x16xf32>
      tpu.vector_store %arg10[%swap3A_82, %swap3A_83], %swap3A_86 {strides = array<i32>} : memref<128x128xf32, #tpu.memory_space<vmem>>, vector<1x16xf32>,
    }
    %scan3A_5 = arith.constant 128 : i32
    %scan3A_6 = arith.constant 0 : i32
    %scan3A_7 = arith.constant 5 : i32
    %scan3A_8 = arith.addi %scan3A_6, %scan3A_7 : i32
    %scan3A_9 = arith.constant 1 : i32
    scf.for %scan3A_43 = %scan3A_6 to %scan3A_8 step %scan3A_9  : i32 {
      %mul3A_44 = arith.constant 1 : i32
      %mul3A_45 = arith.muli %scan3A_43, %mul3A_44 : i32
      %add3A_46 = arith.constant 0 : i32
      %add3A_47 = arith.addi %add3A_46, %mul3A_45 : i32
      %mul3A_48 = arith.constant 640 : i32
      %mul3A_49 = arith.muli %arg1, %mul3A_48 : i32
      %mul3A_50 = arith.constant 128 : i32
      %mul3A_51 = arith.muli %add3A_47, %mul3A_50 : i32
      %add3A_52 = arith.addi %mul3A_49, %mul3A_51 : i32
      "tpu.region"() ({
        %run_scoped3A = tpu.sem_alloc : memref<!tpu.dma_semaphore, #tpu.memory_space<semaphore_mem>>
        %dma_start3A = arith.constant 0 : i32
        %dma_start3A_53 = tpu.memref_slice %arg11[%add3A_52, %dma_start3A] : memref<10240x128xf32, #tpu.memory_space<vmem_shared>> -> memref<128x128xf32, #tpu.memory_space<vmem_shared>>
        %dma_start3A_54 = arith.constant 0 : i32
        %dma_start3A_55 = tpu.memref_slice %arg11[%add3A_52, %dma_start3A_54] : memref<10240x128xf32, #tpu.memory_space<vmem_shared>> -> memref<128x128xf32, #tpu.memory_space<vmem_shared>>
        tpu.enqueue_dma source(%arg10 : memref<128x128xf32, #tpu.memory_space<vmem>>) target(%dma_start3A_55 : memref<128x128xf32, #tpu.memory_space<vmem_shared>>) target_semaphore(%run_scoped3A : memref<!tpu.dma_semaphore, #tpu.memory_space<semaphore_mem>>)
        %dma_wait3A = arith.constant 0 : i32
        %dma_wait3A_56 = tpu.memref_slice %arg11[%add3A_52, %dma_wait3A] : memref<10240x128xf32, #tpu.memory_space<vmem_shared>> -> memref<128x128xf32, #tpu.memory_space<vmem_shared>>
        %dma_wait3A_57 = arith.constant 0 : i32
        %dma_wait3A_58 = tpu.memref_slice %arg11[%add3A_52, %dma_wait3A_57] : memref<10240x128xf32, #tpu.memory_space<vmem_shared>> -> memref<128x128xf32, #tpu.memory_space<vmem_shared>>
        tpu.wait_dma2 semaphore(%run_scoped3A : memref<!tpu.dma_semaphore, #tpu.memory_space<semaphore_mem>>) src(%arg10 : memref<128x128xf32, #tpu.memory_space<vmem>>) dst(%dma_wait3A_58 : memref<128x128xf32, #tpu.memory_space<vmem_shared>>)
        tpu.yield
      }) : () -> ()
    }
    %scan3A_10 = arith.constant 5 : i32
    %broadcast_in_dim3A_11 = arith.constant 1.000000e+00 : f32
    %broadcast_in_dim3A_12 = vector.broadcast %broadcast_in_dim3A_11 : f32 to vector<16xf32>
    %scan3A_13 = arith.constant 0 : i32
    %scan3A_14 = arith.constant 640 : i32
    %scan3A_15 = arith.addi %scan3A_13, %scan3A_14 : i32
    %scan3A_16 = arith.constant 1 : i32
    scf.for %scan3A_43 = %scan3A_13 to %scan3A_15 step %scan3A_16  : i32 {
      %mul3A_44 = arith.constant 1 : i32
      %mul3A_45 = arith.muli %scan3A_43, %mul3A_44 : i32
      %add3A_46 = arith.constant 0 : i32
      %add3A_47 = arith.addi %add3A_46, %mul3A_45 : i32
      %swap3A = arith.index_cast %add3A_47 : i32 to index
      %swap3A_48 = arith.constant 0 : index
      %swap3A_49 = tpu.vector_load %arg14[%swap3A, %swap3A_48] {strides = array<i32>} : memref<640x16xf32, #tpu.memory_space<vmem>>, vector<1x16xf32>,
      %swap3A_50 = vector.shape_cast %swap3A_49 : vector<1x16xf32> to vector<16xf32>
      %swap3A_51 = vector.shape_cast %broadcast_in_dim3A_1 : vector<16xf32> to vector<1x16xf32>
      tpu.vector_store %arg14[%swap3A, %swap3A_48], %swap3A_51 {strides = array<i32>} : memref<640x16xf32, #tpu.memory_space<vmem>>, vector<1x16xf32>,
    }
    %scan3A_17 = arith.constant 640 : i32
    %scan3A_18 = arith.constant 0 : i32
    %scan3A_19 = arith.constant 80 : i32
    %scan3A_20 = arith.addi %scan3A_18, %scan3A_19 : i32
    %scan3A_21 = arith.constant 1 : i32
    scf.for %scan3A_43 = %scan3A_18 to %scan3A_20 step %scan3A_21  : i32 {
      %mul3A_44 = arith.constant 1 : i32
      %mul3A_45 = arith.muli %scan3A_43, %mul3A_44 : i32
      %add3A_46 = arith.constant 0 : i32
      %add3A_47 = arith.addi %add3A_46, %mul3A_45 : i32
      %swap3A = arith.index_cast %add3A_47 : i32 to index
      %swap3A_48 = arith.constant 0 : index
      %swap3A_49 = tpu.vector_load %arg13[%swap3A, %swap3A_48] {strides = array<i32>} : memref<80x16xf32, #tpu.memory_space<vmem>>, vector<1x16xf32>,
      %swap3A_50 = vector.shape_cast %swap3A_49 : vector<1x16xf32> to vector<16xf32>
      %swap3A_51 = vector.shape_cast %broadcast_in_dim3A_12 : vector<16xf32> to vector<1x16xf32>
      tpu.vector_store %arg13[%swap3A, %swap3A_48], %swap3A_51 {strides = array<i32>} : memref<80x16xf32, #tpu.memory_space<vmem>>, vector<1x16xf32>,
    }
    %scan3A_22 = arith.constant 80 : i32
    %mul3A_23 = arith.constant 640 : i32
    %mul3A_24 = arith.muli %arg1, %mul3A_23 : i32
    "tpu.region"() ({
      %run_scoped3A = tpu.sem_alloc : memref<!tpu.dma_semaphore, #tpu.memory_space<semaphore_mem>>
      %dma_start3A = arith.constant 0 : i32
      %dma_start3A_43 = tpu.memref_slice %arg15[%mul3A_24, %dma_start3A] : memref<10240x16xf32, #tpu.memory_space<vmem_shared>> -> memref<640x16xf32, #tpu.memory_space<vmem_shared>>
      %dma_start3A_44 = arith.constant 0 : i32
      %dma_start3A_45 = tpu.memref_slice %arg15[%mul3A_24, %dma_start3A_44] : memref<10240x16xf32, #tpu.memory_space<vmem_shared>> -> memref<640x16xf32, #tpu.memory_space<vmem_shared>>
      tpu.enqueue_dma source(%arg14 : memref<640x16xf32, #tpu.memory_space<vmem>>) target(%dma_start3A_45 : memref<640x16xf32, #tpu.memory_space<vmem_shared>>) target_semaphore(%run_scoped3A : memref<!tpu.dma_semaphore, #tpu.memory_space<semaphore_mem>>)
      %dma_wait3A = arith.constant 0 : i32
      %dma_wait3A_46 = tpu.memref_slice %arg15[%mul3A_24, %dma_wait3A] : memref<10240x16xf32, #tpu.memory_space<vmem_shared>> -> memref<640x16xf32, #tpu.memory_space<vmem_shared>>
      %dma_wait3A_47 = arith.constant 0 : i32
      %dma_wait3A_48 = tpu.memref_slice %arg15[%mul3A_24, %dma_wait3A_47] : memref<10240x16xf32, #tpu.memory_space<vmem_shared>> -> memref<640x16xf32, #tpu.memory_space<vmem_shared>>
      tpu.wait_dma2 semaphore(%run_scoped3A : memref<!tpu.dma_semaphore, #tpu.memory_space<semaphore_mem>>) src(%arg14 : memref<640x16xf32, #tpu.memory_space<vmem>>) dst(%dma_wait3A_48 : memref<640x16xf32, #tpu.memory_space<vmem_shared>>)
      tpu.yield
    }) : () -> ()
    %barrier3A = arith.constant 0 : index
    tpu.barrier barrier_id(%barrier3A)
    %mul3A_25 = arith.constant 10000 : i32
    %mul3A_26 = arith.muli %add3A, %mul3A_25 : i32
    %scan3A_27 = arith.constant 0 : i32
    %scan3A_28 = arith.constant 125 : i32
    %scan3A_29 = arith.addi %scan3A_27, %scan3A_28 : i32
    %scan3A_30 = arith.constant 1 : i32
    scf.for %scan3A_43 = %scan3A_27 to %scan3A_29 step %scan3A_30  : i32 {
      %mul3A_44 = arith.constant 1 : i32
      %mul3A_45 = arith.muli %scan3A_43, %mul3A_44 : i32
      %add3A_46 = arith.constant 0 : i32
      %add3A_47 = arith.addi %add3A_46, %mul3A_45 : i32
      %mul3A_48 = arith.constant 80 : i32
      %mul3A_49 = arith.muli %add3A_47, %mul3A_48 : i32
      %add3A_50 = arith.addi %mul3A_26, %mul3A_49 : i32
      "tpu.region"() ({
        %run_scoped3A = tpu.sem_alloc : memref<!tpu.dma_semaphore, #tpu.memory_space<semaphore_mem>>
        %dma_start3A_55 = tpu.memref_slice %arg3[%add3A_50] : memref<320000xi32, #tpu.memory_space<hbm>> -> memref<80xi32, #tpu.memory_space<hbm>>
        %dma_start3A_56 = tpu.memref_slice %arg3[%add3A_50] : memref<320000xi32, #tpu.memory_space<hbm>> -> memref<80xi32, #tpu.memory_space<hbm>>
        tpu.enqueue_dma source(%dma_start3A_56 : memref<80xi32, #tpu.memory_space<hbm>>) target(%arg7 : memref<80xi32, #tpu.memory_space<vmem>>) target_semaphore(%run_scoped3A : memref<!tpu.dma_semaphore, #tpu.memory_space<semaphore_mem>>)
        %dma_wait3A_57 = tpu.memref_slice %arg3[%add3A_50] : memref<320000xi32, #tpu.memory_space<hbm>> -> memref<80xi32, #tpu.memory_space<hbm>>
        %dma_wait3A_58 = tpu.memref_slice %arg3[%add3A_50] : memref<320000xi32, #tpu.memory_space<hbm>> -> memref<80xi32, #tpu.memory_space<hbm>>
        tpu.wait_dma2 semaphore(%run_scoped3A : memref<!tpu.dma_semaphore, #tpu.memory_space<semaphore_mem>>) src(%dma_wait3A_58 : memref<80xi32, #tpu.memory_space<hbm>>) dst(%arg7 : memref<80xi32, #tpu.memory_space<vmem>>)
        tpu.yield
      }) : () -> ()
      %dma_start3A = arith.constant 0 : i32
      %dma_start3A_51 = arith.constant 0 : i32
      %dma_start3A_52 = tpu.memref_slice %arg2[%dma_start3A, %dma_start3A_51] : memref<10000x128xf32, #tpu.memory_space<hbm>> -> memref<10000x128xf32, #tpu.memory_space<hbm>>
      tpu.enqueue_indirect_dma source(%dma_start3A_52 : memref<10000x128xf32, #tpu.memory_space<hbm>>) target(%arg9 : memref<80x128xf32, #tpu.memory_space<vmem>>) offsets(%arg7 : memref<80xi32, #tpu.memory_space<vmem>>) semaphore(%arg12 : memref<!tpu.dma_semaphore, #tpu.memory_space<semaphore_mem>>)
      %dma_wait3A = arith.constant 0 : i32
      %dma_wait3A_53 = arith.constant 0 : i32
      %dma_wait3A_54 = tpu.memref_slice %arg2[%dma_wait3A, %dma_wait3A_53] : memref<10000x128xf32, #tpu.memory_space<hbm>> -> memref<10000x128xf32, #tpu.memory_space<hbm>>
      tpu.wait_indirect_dma semaphore(%arg12 : memref<!tpu.dma_semaphore, #tpu.memory_space<semaphore_mem>>) src(%dma_wait3A_54 : memref<10000x128xf32, #tpu.memory_space<hbm>>) dst(%arg9 : memref<80x128xf32, #tpu.memory_space<vmem>>)
      "tpu.region"() ({
        %run_scoped3A = tpu.sem_alloc : memref<!tpu.dma_semaphore, #tpu.memory_space<semaphore_mem>>
        %dma_start3A_55 = tpu.memref_slice %arg4[%add3A_50] : memref<320000xi32, #tpu.memory_space<hbm>> -> memref<80xi32, #tpu.memory_space<hbm>>
        %dma_start3A_56 = tpu.memref_slice %arg4[%add3A_50] : memref<320000xi32, #tpu.memory_space<hbm>> -> memref<80xi32, #tpu.memory_space<hbm>>
        tpu.enqueue_dma source(%dma_start3A_56 : memref<80xi32, #tpu.memory_space<hbm>>) target(%arg8 : memref<80xi32, #tpu.memory_space<vmem>>) target_semaphore(%run_scoped3A : memref<!tpu.dma_semaphore, #tpu.memory_space<semaphore_mem>>)
        %dma_wait3A_57 = tpu.memref_slice %arg4[%add3A_50] : memref<320000xi32, #tpu.memory_space<hbm>> -> memref<80xi32, #tpu.memory_space<hbm>>
        %dma_wait3A_58 = tpu.memref_slice %arg4[%add3A_50] : memref<320000xi32, #tpu.memory_space<hbm>> -> memref<80xi32, #tpu.memory_space<hbm>>
        tpu.wait_dma2 semaphore(%run_scoped3A : memref<!tpu.dma_semaphore, #tpu.memory_space<semaphore_mem>>) src(%dma_wait3A_58 : memref<80xi32, #tpu.memory_space<hbm>>) dst(%arg8 : memref<80xi32, #tpu.memory_space<vmem>>)
        tpu.yield
      }) : () -> ()
      "tpu.region"() ({
        %run_scoped3A = tpu.sem_alloc : memref<!tpu.dma_semaphore, #tpu.memory_space<semaphore_mem>>
        %dma_start3A_55 = arith.constant 0 : i32
        %dma_start3A_56 = arith.constant 0 : i32
        %dma_start3A_57 = tpu.memref_slice %arg11[%dma_start3A_55, %dma_start3A_56] : memref<10240x128xf32, #tpu.memory_space<vmem_shared>> -> memref<10240x128xf32, #tpu.memory_space<vmem_shared>>
        tpu.enqueue_indirect_dma source(%arg9 : memref<80x128xf32, #tpu.memory_space<vmem>>) target(%dma_start3A_57 : memref<10240x128xf32, #tpu.memory_space<vmem_shared>>) offsets(%arg8 : memref<80xi32, #tpu.memory_space<vmem>>) semaphore(%run_scoped3A : memref<!tpu.dma_semaphore, #tpu.memory_space<semaphore_mem>>) {add = true}
        %dma_wait3A_58 = arith.constant 0 : i32
        %dma_wait3A_59 = arith.constant 0 : i32
        %dma_wait3A_60 = tpu.memref_slice %arg11[%dma_wait3A_58, %dma_wait3A_59] : memref<10240x128xf32, #tpu.memory_space<vmem_shared>> -> memref<10240x128xf32, #tpu.memory_space<vmem_shared>>
        tpu.wait_indirect_dma semaphore(%run_scoped3A : memref<!tpu.dma_semaphore, #tpu.memory_space<semaphore_mem>>) src(%arg9 : memref<80x128xf32, #tpu.memory_space<vmem>>) dst(%dma_wait3A_60 : memref<10240x128xf32, #tpu.memory_space<vmem_shared>>)
        tpu.yield
      }) : () -> ()
      "tpu.region"() ({
        %run_scoped3A = tpu.sem_alloc : memref<!tpu.dma_semaphore, #tpu.memory_space<semaphore_mem>>
        %dma_start3A_55 = arith.constant 0 : i32
        %dma_start3A_56 = arith.constant 0 : i32
        %dma_start3A_57 = tpu.memref_slice %arg15[%dma_start3A_55, %dma_start3A_56] : memref<10240x16xf32, #tpu.memory_space<vmem_shared>> -> memref<10240x16xf32, #tpu.memory_space<vmem_shared>>
        tpu.enqueue_indirect_dma source(%arg13 : memref<80x16xf32, #tpu.memory_space<vmem>>) target(%dma_start3A_57 : memref<10240x16xf32, #tpu.memory_space<vmem_shared>>) offsets(%arg8 : memref<80xi32, #tpu.memory_space<vmem>>) semaphore(%run_scoped3A : memref<!tpu.dma_semaphore, #tpu.memory_space<semaphore_mem>>) {add = true}
        %dma_wait3A_58 = arith.constant 0 : i32
        %dma_wait3A_59 = arith.constant 0 : i32
        %dma_wait3A_60 = tpu.memref_slice %arg15[%dma_wait3A_58, %dma_wait3A_59] : memref<10240x16xf32, #tpu.memory_space<vmem_shared>> -> memref<10240x16xf32, #tpu.memory_space<vmem_shared>>
        tpu.wait_indirect_dma semaphore(%run_scoped3A : memref<!tpu.dma_semaphore, #tpu.memory_space<semaphore_mem>>) src(%arg13 : memref<80x16xf32, #tpu.memory_space<vmem>>) dst(%dma_wait3A_60 : memref<10240x16xf32, #tpu.memory_space<vmem_shared>>)
        tpu.yield
      }) : () -> ()
    }
    %scan3A_31 = arith.constant 125 : i32
    %barrier3A_32 = arith.constant 0 : index
    tpu.barrier barrier_id(%barrier3A_32)
    %scan3A_33 = arith.constant 0 : i32
    %scan3A_34 = arith.constant 5 : i32
    %scan3A_35 = arith.addi %scan3A_33, %scan3A_34 : i32
    %scan3A_36 = arith.constant 1 : i32
    scf.for %scan3A_43 = %scan3A_33 to %scan3A_35 step %scan3A_36  : i32 {
      %mul3A_44 = arith.constant 1 : i32
      %mul3A_45 = arith.muli %scan3A_43, %mul3A_44 : i32
      %add3A_46 = arith.constant 0 : i32
      %add3A_47 = arith.addi %add3A_46, %mul3A_45 : i32
      %mul3A_48 = arith.constant 640 : i32
      %mul3A_49 = arith.muli %arg1, %mul3A_48 : i32
      %mul3A_50 = arith.constant 128 : i32
      %mul3A_51 = arith.muli %add3A_47, %mul3A_50 : i32
      %add3A_52 = arith.addi %mul3A_49, %mul3A_51 : i32
      "tpu.region"() ({
        %run_scoped3A = tpu.sem_alloc : memref<!tpu.dma_semaphore, #tpu.memory_space<semaphore_mem>>
        %dma_start3A = arith.constant 0 : i32
        %dma_start3A_56 = tpu.memref_slice %arg11[%add3A_52, %dma_start3A] : memref<10240x128xf32, #tpu.memory_space<vmem_shared>> -> memref<128x128xf32, #tpu.memory_space<vmem_shared>>
        %dma_start3A_57 = arith.constant 0 : i32
        %dma_start3A_58 = tpu.memref_slice %arg11[%add3A_52, %dma_start3A_57] : memref<10240x128xf32, #tpu.memory_space<vmem_shared>> -> memref<128x128xf32, #tpu.memory_space<vmem_shared>>
        tpu.enqueue_dma source(%dma_start3A_58 : memref<128x128xf32, #tpu.memory_space<vmem_shared>>) target(%arg10 : memref<128x128xf32, #tpu.memory_space<vmem>>) target_semaphore(%run_scoped3A : memref<!tpu.dma_semaphore, #tpu.memory_space<semaphore_mem>>)
        %dma_wait3A = arith.constant 0 : i32
        %dma_wait3A_59 = tpu.memref_slice %arg11[%add3A_52, %dma_wait3A] : memref<10240x128xf32, #tpu.memory_space<vmem_shared>> -> memref<128x128xf32, #tpu.memory_space<vmem_shared>>
        %dma_wait3A_60 = arith.constant 0 : i32
        %dma_wait3A_61 = tpu.memref_slice %arg11[%add3A_52, %dma_wait3A_60] : memref<10240x128xf32, #tpu.memory_space<vmem_shared>> -> memref<128x128xf32, #tpu.memory_space<vmem_shared>>
        tpu.wait_dma2 semaphore(%run_scoped3A : memref<!tpu.dma_semaphore, #tpu.memory_space<semaphore_mem>>) src(%dma_wait3A_61 : memref<128x128xf32, #tpu.memory_space<vmem_shared>>) dst(%arg10 : memref<128x128xf32, #tpu.memory_space<vmem>>)
        tpu.yield
      }) : () -> ()
      %mul3A_53 = arith.constant 10240 : i32
      %mul3A_54 = arith.muli %arg0, %mul3A_53 : i32
      %add3A_55 = arith.addi %mul3A_54, %add3A_52 : i32
      "tpu.region"() ({
        %run_scoped3A = tpu.sem_alloc : memref<!tpu.dma_semaphore, #tpu.memory_space<semaphore_mem>>
        %dma_start3A = arith.constant 0 : i32
        %dma_start3A_56 = tpu.memref_slice %arg5[%add3A_55, %dma_start3A] : memref<20480x128xf32, #tpu.memory_space<hbm>> -> memref<128x128xf32, #tpu.memory_space<hbm>>
        %dma_start3A_57 = arith.constant 0 : i32
        %dma_start3A_58 = tpu.memref_slice %arg5[%add3A_55, %dma_start3A_57] : memref<20480x128xf32, #tpu.memory_space<hbm>> -> memref<128x128xf32, #tpu.memory_space<hbm>>
        tpu.enqueue_dma source(%arg10 : memref<128x128xf32, #tpu.memory_space<vmem>>) target(%dma_start3A_58 : memref<128x128xf32, #tpu.memory_space<hbm>>) target_semaphore(%run_scoped3A : memref<!tpu.dma_semaphore, #tpu.memory_space<semaphore_mem>>)
        %dma_wait3A = arith.constant 0 : i32
        %dma_wait3A_59 = tpu.memref_slice %arg5[%add3A_55, %dma_wait3A] : memref<20480x128xf32, #tpu.memory_space<hbm>> -> memref<128x128xf32, #tpu.memory_space<hbm>>
        %dma_wait3A_60 = arith.constant 0 : i32
        %dma_wait3A_61 = tpu.memref_slice %arg5[%add3A_55, %dma_wait3A_60] : memref<20480x128xf32, #tpu.memory_space<hbm>> -> memref<128x128xf32, #tpu.memory_space<hbm>>
        tpu.wait_dma2 semaphore(%run_scoped3A : memref<!tpu.dma_semaphore, #tpu.memory_space<semaphore_mem>>) src(%arg10 : memref<128x128xf32, #tpu.memory_space<vmem>>) dst(%dma_wait3A_61 : memref<128x128xf32, #tpu.memory_space<hbm>>)
        tpu.yield
      }) : () -> ()
    }
    %scan3A_37 = arith.constant 5 : i32
    %mul3A_38 = arith.constant 640 : i32
    %mul3A_39 = arith.muli %arg1, %mul3A_38 : i32
    "tpu.region"() ({
      %run_scoped3A = tpu.sem_alloc : memref<!tpu.dma_semaphore, #tpu.memory_space<semaphore_mem>>
      %dma_start3A = arith.constant 0 : i32
      %dma_start3A_43 = tpu.memref_slice %arg15[%mul3A_39, %dma_start3A] : memref<10240x16xf32, #tpu.memory_space<vmem_shared>> -> memref<640x16xf32, #tpu.memory_space<vmem_shared>>
      %dma_start3A_44 = arith.constant 0 : i32
      %dma_start3A_45 = tpu.memref_slice %arg15[%mul3A_39, %dma_start3A_44] : memref<10240x16xf32, #tpu.memory_space<vmem_shared>> -> memref<640x16xf32, #tpu.memory_space<vmem_shared>>
      tpu.enqueue_dma source(%dma_start3A_45 : memref<640x16xf32, #tpu.memory_space<vmem_shared>>) target(%arg14 : memref<640x16xf32, #tpu.memory_space<vmem>>) target_semaphore(%run_scoped3A : memref<!tpu.dma_semaphore, #tpu.memory_space<semaphore_mem>>)
      %dma_wait3A = arith.constant 0 : i32
      %dma_wait3A_46 = tpu.memref_slice %arg15[%mul3A_39, %dma_wait3A] : memref<10240x16xf32, #tpu.memory_space<vmem_shared>> -> memref<640x16xf32, #tpu.memory_space<vmem_shared>>
      %dma_wait3A_47 = arith.constant 0 : i32
      %dma_wait3A_48 = tpu.memref_slice %arg15[%mul3A_39, %dma_wait3A_47] : memref<10240x16xf32, #tpu.memory_space<vmem_shared>> -> memref<640x16xf32, #tpu.memory_space<vmem_shared>>
      tpu.wait_dma2 semaphore(%run_scoped3A : memref<!tpu.dma_semaphore, #tpu.memory_space<semaphore_mem>>) src(%dma_wait3A_48 : memref<640x16xf32, #tpu.memory_space<vmem_shared>>) dst(%arg14 : memref<640x16xf32, #tpu.memory_space<vmem>>)
      tpu.yield
    }) : () -> ()
    %mul3A_40 = arith.constant 10240 : i32
    %mul3A_41 = arith.muli %arg0, %mul3A_40 : i32
    %add3A_42 = arith.addi %mul3A_41, %mul3A_39 : i32
    "tpu.region"() ({
      %run_scoped3A = tpu.sem_alloc : memref<!tpu.dma_semaphore, #tpu.memory_space<semaphore_mem>>
      %dma_start3A = arith.constant 0 : i32
      %dma_start3A_43 = tpu.memref_slice %arg6[%add3A_42, %dma_start3A] : memref<20480x16xf32, #tpu.memory_space<hbm>> -> memref<640x16xf32, #tpu.memory_space<hbm>>
      %dma_start3A_44 = arith.constant 0 : i32
      %dma_start3A_45 = tpu.memref_slice %arg6[%add3A_42, %dma_start3A_44] : memref<20480x16xf32, #tpu.memory_space<hbm>> -> memref<640x16xf32, #tpu.memory_space<hbm>>
      tpu.enqueue_dma source(%arg14 : memref<640x16xf32, #tpu.memory_space<vmem>>) target(%dma_start3A_45 : memref<640x16xf32, #tpu.memory_space<hbm>>) target_semaphore(%run_scoped3A : memref<!tpu.dma_semaphore, #tpu.memory_space<semaphore_mem>>)
      %dma_wait3A = arith.constant 0 : i32
      %dma_wait3A_46 = tpu.memref_slice %arg6[%add3A_42, %dma_wait3A] : memref<20480x16xf32, #tpu.memory_space<hbm>> -> memref<640x16xf32, #tpu.memory_space<hbm>>
      %dma_wait3A_47 = arith.constant 0 : i32
      %dma_wait3A_48 = tpu.memref_slice %arg6[%add3A_42, %dma_wait3A_47] : memref<20480x16xf32, #tpu.memory_space<hbm>> -> memref<640x16xf32, #tpu.memory_space<hbm>>
      tpu.wait_dma2 semaphore(%run_scoped3A : memref<!tpu.dma_semaphore, #tpu.memory_space<semaphore_mem>>) src(%arg14 : memref<640x16xf32, #tpu.memory_space<vmem>>) dst(%dma_wait3A_48 : memref<640x16xf32, #tpu.memory_space<hbm>>)
      tpu.yield
    }) : () -> ()
    return
  }
}

#map = affine_map<(d0, d1) -> (0, 0)>
#map1 = affine_map<(d0, d1) -> (0)>
module attributes {stable_mosaic.version = 14 : i64} {
  func.func @_sc_body(%arg0: i32, %arg1: i32, %arg2: memref<10000x128xf32, #tpu.memory_space<hbm>>, %arg3: memref<320000xi32, #tpu.memory_space<hbm>>, %arg4: memref<320000xi32, #tpu.memory_space<hbm>>, %arg5: memref<20480x128xf32, #tpu.memory_space<hbm>>, %arg6: memref<80xi32, #tpu.memory_space<vmem>>, %arg7: memref<80xi32, #tpu.memory_space<vmem>>, %arg8: memref<80x128xf32, #tpu.memory_space<vmem>>, %arg9: memref<128x128xf32, #tpu.memory_space<vmem>>, %arg10: memref<10240x128xf32, #tpu.memory_space<vmem_shared>>, %arg11: memref<!tpu.dma_semaphore, #tpu.memory_space<semaphore_mem>>) attributes {dimension_semantics = [#tpu.dimension_semantics<core_parallel>, #tpu.dimension_semantics<subcore_parallel>], iteration_bounds = array<i64: 2, 16>, scalar_prefetch = 0 : i64, scratch_operands = 6 : i64, tpu.core_type = #tpu.core_type<sc_vector_subcore>, window_params = [{transform_indices = #map}, {transform_indices = #map1}, {transform_indices = #map1}, {transform_indices = #map}]} {
    %mul3A = arith.constant 16 : i32
    %mul3A_0 = arith.muli %arg0, %mul3A : i32
    %add3A = arith.addi %mul3A_0, %arg1 : i32
    %broadcast_in_dim3A = arith.constant 0.000000e+00 : f32
    %broadcast_in_dim3A_1 = vector.broadcast %broadcast_in_dim3A : f32 to vector<16xf32>
    %scan3A = arith.constant 0 : i32
    %scan3A_2 = arith.constant 128 : i32
    %scan3A_3 = arith.addi %scan3A, %scan3A_2 : i32
    %scan3A_4 = arith.constant 1 : i32
    scf.for %scan3A_24 = %scan3A to %scan3A_3 step %scan3A_4  : i32 {
      %mul3A_25 = arith.constant 1 : i32
      %mul3A_26 = arith.muli %scan3A_24, %mul3A_25 : i32
      %add3A_27 = arith.constant 0 : i32
      %add3A_28 = arith.addi %add3A_27, %mul3A_26 : i32
      %swap3A = arith.index_cast %add3A_28 : i32 to index
      %swap3A_29 = arith.constant 0 : index
      %swap3A_30 = tpu.vector_load %arg9[%swap3A, %swap3A_29] {strides = array<i32>} : memref<128x128xf32, #tpu.memory_space<vmem>>, vector<1x16xf32>,
      %swap3A_31 = vector.shape_cast %swap3A_30 : vector<1x16xf32> to vector<16xf32>
      %swap3A_32 = vector.shape_cast %broadcast_in_dim3A_1 : vector<16xf32> to vector<1x16xf32>
      tpu.vector_store %arg9[%swap3A, %swap3A_29], %swap3A_32 {strides = array<i32>} : memref<128x128xf32, #tpu.memory_space<vmem>>, vector<1x16xf32>,
      %swap3A_33 = arith.index_cast %add3A_28 : i32 to index
      %swap3A_34 = arith.constant 16 : index
      %swap3A_35 = tpu.vector_load %arg9[%swap3A_33, %swap3A_34] {strides = array<i32>} : memref<128x128xf32, #tpu.memory_space<vmem>>, vector<1x16xf32>,
      %swap3A_36 = vector.shape_cast %swap3A_35 : vector<1x16xf32> to vector<16xf32>
      %swap3A_37 = vector.shape_cast %broadcast_in_dim3A_1 : vector<16xf32> to vector<1x16xf32>
      tpu.vector_store %arg9[%swap3A_33, %swap3A_34], %swap3A_37 {strides = array<i32>} : memref<128x128xf32, #tpu.memory_space<vmem>>, vector<1x16xf32>,
      %swap3A_38 = arith.index_cast %add3A_28 : i32 to index
      %swap3A_39 = arith.constant 32 : index
      %swap3A_40 = tpu.vector_load %arg9[%swap3A_38, %swap3A_39] {strides = array<i32>} : memref<128x128xf32, #tpu.memory_space<vmem>>, vector<1x16xf32>,
      %swap3A_41 = vector.shape_cast %swap3A_40 : vector<1x16xf32> to vector<16xf32>
      %swap3A_42 = vector.shape_cast %broadcast_in_dim3A_1 : vector<16xf32> to vector<1x16xf32>
      tpu.vector_store %arg9[%swap3A_38, %swap3A_39], %swap3A_42 {strides = array<i32>} : memref<128x128xf32, #tpu.memory_space<vmem>>, vector<1x16xf32>,
      %swap3A_43 = arith.index_cast %add3A_28 : i32 to index
      %swap3A_44 = arith.constant 48 : index
      %swap3A_45 = tpu.vector_load %arg9[%swap3A_43, %swap3A_44] {strides = array<i32>} : memref<128x128xf32, #tpu.memory_space<vmem>>, vector<1x16xf32>,
      %swap3A_46 = vector.shape_cast %swap3A_45 : vector<1x16xf32> to vector<16xf32>
      %swap3A_47 = vector.shape_cast %broadcast_in_dim3A_1 : vector<16xf32> to vector<1x16xf32>
      tpu.vector_store %arg9[%swap3A_43, %swap3A_44], %swap3A_47 {strides = array<i32>} : memref<128x128xf32, #tpu.memory_space<vmem>>, vector<1x16xf32>,
      %swap3A_48 = arith.index_cast %add3A_28 : i32 to index
      %swap3A_49 = arith.constant 64 : index
      %swap3A_50 = tpu.vector_load %arg9[%swap3A_48, %swap3A_49] {strides = array<i32>} : memref<128x128xf32, #tpu.memory_space<vmem>>, vector<1x16xf32>,
      %swap3A_51 = vector.shape_cast %swap3A_50 : vector<1x16xf32> to vector<16xf32>
      %swap3A_52 = vector.shape_cast %broadcast_in_dim3A_1 : vector<16xf32> to vector<1x16xf32>
      tpu.vector_store %arg9[%swap3A_48, %swap3A_49], %swap3A_52 {strides = array<i32>} : memref<128x128xf32, #tpu.memory_space<vmem>>, vector<1x16xf32>,
      %swap3A_53 = arith.index_cast %add3A_28 : i32 to index
      %swap3A_54 = arith.constant 80 : index
      %swap3A_55 = tpu.vector_load %arg9[%swap3A_53, %swap3A_54] {strides = array<i32>} : memref<128x128xf32, #tpu.memory_space<vmem>>, vector<1x16xf32>,
      %swap3A_56 = vector.shape_cast %swap3A_55 : vector<1x16xf32> to vector<16xf32>
      %swap3A_57 = vector.shape_cast %broadcast_in_dim3A_1 : vector<16xf32> to vector<1x16xf32>
      tpu.vector_store %arg9[%swap3A_53, %swap3A_54], %swap3A_57 {strides = array<i32>} : memref<128x128xf32, #tpu.memory_space<vmem>>, vector<1x16xf32>,
      %swap3A_58 = arith.index_cast %add3A_28 : i32 to index
      %swap3A_59 = arith.constant 96 : index
      %swap3A_60 = tpu.vector_load %arg9[%swap3A_58, %swap3A_59] {strides = array<i32>} : memref<128x128xf32, #tpu.memory_space<vmem>>, vector<1x16xf32>,
      %swap3A_61 = vector.shape_cast %swap3A_60 : vector<1x16xf32> to vector<16xf32>
      %swap3A_62 = vector.shape_cast %broadcast_in_dim3A_1 : vector<16xf32> to vector<1x16xf32>
      tpu.vector_store %arg9[%swap3A_58, %swap3A_59], %swap3A_62 {strides = array<i32>} : memref<128x128xf32, #tpu.memory_space<vmem>>, vector<1x16xf32>,
      %swap3A_63 = arith.index_cast %add3A_28 : i32 to index
      %swap3A_64 = arith.constant 112 : index
      %swap3A_65 = tpu.vector_load %arg9[%swap3A_63, %swap3A_64] {strides = array<i32>} : memref<128x128xf32, #tpu.memory_space<vmem>>, vector<1x16xf32>,
      %swap3A_66 = vector.shape_cast %swap3A_65 : vector<1x16xf32> to vector<16xf32>
      %swap3A_67 = vector.shape_cast %broadcast_in_dim3A_1 : vector<16xf32> to vector<1x16xf32>
      tpu.vector_store %arg9[%swap3A_63, %swap3A_64], %swap3A_67 {strides = array<i32>} : memref<128x128xf32, #tpu.memory_space<vmem>>, vector<1x16xf32>,
    }
    %scan3A_5 = arith.constant 128 : i32
    %scan3A_6 = arith.constant 0 : i32
    %scan3A_7 = arith.constant 5 : i32
    %scan3A_8 = arith.addi %scan3A_6, %scan3A_7 : i32
    %scan3A_9 = arith.constant 1 : i32
    scf.for %scan3A_24 = %scan3A_6 to %scan3A_8 step %scan3A_9  : i32 {
      %mul3A_25 = arith.constant 1 : i32
      %mul3A_26 = arith.muli %scan3A_24, %mul3A_25 : i32
      %add3A_27 = arith.constant 0 : i32
      %add3A_28 = arith.addi %add3A_27, %mul3A_26 : i32
      %mul3A_29 = arith.constant 640 : i32
      %mul3A_30 = arith.muli %arg1, %mul3A_29 : i32
      %mul3A_31 = arith.constant 128 : i32
      %mul3A_32 = arith.muli %add3A_28, %mul3A_31 : i32
      %add3A_33 = arith.addi %mul3A_30, %mul3A_32 : i32
      "tpu.region"() ({
        %run_scoped3A = tpu.sem_alloc : memref<!tpu.dma_semaphore, #tpu.memory_space<semaphore_mem>>
        %dma_start3A = arith.constant 0 : i32
        %dma_start3A_34 = tpu.memref_slice %arg10[%add3A_33, %dma_start3A] : memref<10240x128xf32, #tpu.memory_space<vmem_shared>> -> memref<128x128xf32, #tpu.memory_space<vmem_shared>>
        %dma_start3A_35 = arith.constant 0 : i32
        %dma_start3A_36 = tpu.memref_slice %arg10[%add3A_33, %dma_start3A_35] : memref<10240x128xf32, #tpu.memory_space<vmem_shared>> -> memref<128x128xf32, #tpu.memory_space<vmem_shared>>
        tpu.enqueue_dma source(%arg9 : memref<128x128xf32, #tpu.memory_space<vmem>>) target(%dma_start3A_36 : memref<128x128xf32, #tpu.memory_space<vmem_shared>>) target_semaphore(%run_scoped3A : memref<!tpu.dma_semaphore, #tpu.memory_space<semaphore_mem>>)
        %dma_wait3A = arith.constant 0 : i32
        %dma_wait3A_37 = tpu.memref_slice %arg10[%add3A_33, %dma_wait3A] : memref<10240x128xf32, #tpu.memory_space<vmem_shared>> -> memref<128x128xf32, #tpu.memory_space<vmem_shared>>
        %dma_wait3A_38 = arith.constant 0 : i32
        %dma_wait3A_39 = tpu.memref_slice %arg10[%add3A_33, %dma_wait3A_38] : memref<10240x128xf32, #tpu.memory_space<vmem_shared>> -> memref<128x128xf32, #tpu.memory_space<vmem_shared>>
        tpu.wait_dma2 semaphore(%run_scoped3A : memref<!tpu.dma_semaphore, #tpu.memory_space<semaphore_mem>>) src(%arg9 : memref<128x128xf32, #tpu.memory_space<vmem>>) dst(%dma_wait3A_39 : memref<128x128xf32, #tpu.memory_space<vmem_shared>>)
        tpu.yield
      }) : () -> ()
    }
    %scan3A_10 = arith.constant 5 : i32
    %barrier3A = arith.constant 0 : index
    tpu.barrier barrier_id(%barrier3A)
    %mul3A_11 = arith.constant 10000 : i32
    %mul3A_12 = arith.muli %add3A, %mul3A_11 : i32
    %scan3A_13 = arith.constant 0 : i32
    %scan3A_14 = arith.constant 125 : i32
    %scan3A_15 = arith.addi %scan3A_13, %scan3A_14 : i32
    %scan3A_16 = arith.constant 1 : i32
    scf.for %scan3A_24 = %scan3A_13 to %scan3A_15 step %scan3A_16  : i32 {
      %mul3A_25 = arith.constant 1 : i32
      %mul3A_26 = arith.muli %scan3A_24, %mul3A_25 : i32
      %add3A_27 = arith.constant 0 : i32
      %add3A_28 = arith.addi %add3A_27, %mul3A_26 : i32
      %mul3A_29 = arith.constant 80 : i32
      %mul3A_30 = arith.muli %add3A_28, %mul3A_29 : i32
      %add3A_31 = arith.addi %mul3A_12, %mul3A_30 : i32
      "tpu.region"() ({
        %run_scoped3A = tpu.sem_alloc : memref<!tpu.dma_semaphore, #tpu.memory_space<semaphore_mem>>
        %dma_start3A_36 = tpu.memref_slice %arg3[%add3A_31] : memref<320000xi32, #tpu.memory_space<hbm>> -> memref<80xi32, #tpu.memory_space<hbm>>
        %dma_start3A_37 = tpu.memref_slice %arg3[%add3A_31] : memref<320000xi32, #tpu.memory_space<hbm>> -> memref<80xi32, #tpu.memory_space<hbm>>
        tpu.enqueue_dma source(%dma_start3A_37 : memref<80xi32, #tpu.memory_space<hbm>>) target(%arg6 : memref<80xi32, #tpu.memory_space<vmem>>) target_semaphore(%run_scoped3A : memref<!tpu.dma_semaphore, #tpu.memory_space<semaphore_mem>>)
        %dma_wait3A_38 = tpu.memref_slice %arg3[%add3A_31] : memref<320000xi32, #tpu.memory_space<hbm>> -> memref<80xi32, #tpu.memory_space<hbm>>
        %dma_wait3A_39 = tpu.memref_slice %arg3[%add3A_31] : memref<320000xi32, #tpu.memory_space<hbm>> -> memref<80xi32, #tpu.memory_space<hbm>>
        tpu.wait_dma2 semaphore(%run_scoped3A : memref<!tpu.dma_semaphore, #tpu.memory_space<semaphore_mem>>) src(%dma_wait3A_39 : memref<80xi32, #tpu.memory_space<hbm>>) dst(%arg6 : memref<80xi32, #tpu.memory_space<vmem>>)
        tpu.yield
      }) : () -> ()
      %dma_start3A = arith.constant 0 : i32
      %dma_start3A_32 = arith.constant 0 : i32
      %dma_start3A_33 = tpu.memref_slice %arg2[%dma_start3A, %dma_start3A_32] : memref<10000x128xf32, #tpu.memory_space<hbm>> -> memref<10000x128xf32, #tpu.memory_space<hbm>>
      tpu.enqueue_indirect_dma source(%dma_start3A_33 : memref<10000x128xf32, #tpu.memory_space<hbm>>) target(%arg8 : memref<80x128xf32, #tpu.memory_space<vmem>>) offsets(%arg6 : memref<80xi32, #tpu.memory_space<vmem>>) semaphore(%arg11 : memref<!tpu.dma_semaphore, #tpu.memory_space<semaphore_mem>>)
      %dma_wait3A = arith.constant 0 : i32
      %dma_wait3A_34 = arith.constant 0 : i32
      %dma_wait3A_35 = tpu.memref_slice %arg2[%dma_wait3A, %dma_wait3A_34] : memref<10000x128xf32, #tpu.memory_space<hbm>> -> memref<10000x128xf32, #tpu.memory_space<hbm>>
      tpu.wait_indirect_dma semaphore(%arg11 : memref<!tpu.dma_semaphore, #tpu.memory_space<semaphore_mem>>) src(%dma_wait3A_35 : memref<10000x128xf32, #tpu.memory_space<hbm>>) dst(%arg8 : memref<80x128xf32, #tpu.memory_space<vmem>>)
      "tpu.region"() ({
        %run_scoped3A = tpu.sem_alloc : memref<!tpu.dma_semaphore, #tpu.memory_space<semaphore_mem>>
        %dma_start3A_36 = tpu.memref_slice %arg4[%add3A_31] : memref<320000xi32, #tpu.memory_space<hbm>> -> memref<80xi32, #tpu.memory_space<hbm>>
        %dma_start3A_37 = tpu.memref_slice %arg4[%add3A_31] : memref<320000xi32, #tpu.memory_space<hbm>> -> memref<80xi32, #tpu.memory_space<hbm>>
        tpu.enqueue_dma source(%dma_start3A_37 : memref<80xi32, #tpu.memory_space<hbm>>) target(%arg7 : memref<80xi32, #tpu.memory_space<vmem>>) target_semaphore(%run_scoped3A : memref<!tpu.dma_semaphore, #tpu.memory_space<semaphore_mem>>)
        %dma_wait3A_38 = tpu.memref_slice %arg4[%add3A_31] : memref<320000xi32, #tpu.memory_space<hbm>> -> memref<80xi32, #tpu.memory_space<hbm>>
        %dma_wait3A_39 = tpu.memref_slice %arg4[%add3A_31] : memref<320000xi32, #tpu.memory_space<hbm>> -> memref<80xi32, #tpu.memory_space<hbm>>
        tpu.wait_dma2 semaphore(%run_scoped3A : memref<!tpu.dma_semaphore, #tpu.memory_space<semaphore_mem>>) src(%dma_wait3A_39 : memref<80xi32, #tpu.memory_space<hbm>>) dst(%arg7 : memref<80xi32, #tpu.memory_space<vmem>>)
        tpu.yield
      }) : () -> ()
      "tpu.region"() ({
        %run_scoped3A = tpu.sem_alloc : memref<!tpu.dma_semaphore, #tpu.memory_space<semaphore_mem>>
        %dma_start3A_36 = arith.constant 0 : i32
        %dma_start3A_37 = arith.constant 0 : i32
        %dma_start3A_38 = tpu.memref_slice %arg10[%dma_start3A_36, %dma_start3A_37] : memref<10240x128xf32, #tpu.memory_space<vmem_shared>> -> memref<10240x128xf32, #tpu.memory_space<vmem_shared>>
        tpu.enqueue_indirect_dma source(%arg8 : memref<80x128xf32, #tpu.memory_space<vmem>>) target(%dma_start3A_38 : memref<10240x128xf32, #tpu.memory_space<vmem_shared>>) offsets(%arg7 : memref<80xi32, #tpu.memory_space<vmem>>) semaphore(%run_scoped3A : memref<!tpu.dma_semaphore, #tpu.memory_space<semaphore_mem>>) {add = true}
        %dma_wait3A_39 = arith.constant 0 : i32
        %dma_wait3A_40 = arith.constant 0 : i32
        %dma_wait3A_41 = tpu.memref_slice %arg10[%dma_wait3A_39, %dma_wait3A_40] : memref<10240x128xf32, #tpu.memory_space<vmem_shared>> -> memref<10240x128xf32, #tpu.memory_space<vmem_shared>>
        tpu.wait_indirect_dma semaphore(%run_scoped3A : memref<!tpu.dma_semaphore, #tpu.memory_space<semaphore_mem>>) src(%arg8 : memref<80x128xf32, #tpu.memory_space<vmem>>) dst(%dma_wait3A_41 : memref<10240x128xf32, #tpu.memory_space<vmem_shared>>)
        tpu.yield
      }) : () -> ()
    }
    %scan3A_17 = arith.constant 125 : i32
    %barrier3A_18 = arith.constant 0 : index
    tpu.barrier barrier_id(%barrier3A_18)
    %scan3A_19 = arith.constant 0 : i32
    %scan3A_20 = arith.constant 5 : i32
    %scan3A_21 = arith.addi %scan3A_19, %scan3A_20 : i32
    %scan3A_22 = arith.constant 1 : i32
    scf.for %scan3A_24 = %scan3A_19 to %scan3A_21 step %scan3A_22  : i32 {
      %mul3A_25 = arith.constant 1 : i32
      %mul3A_26 = arith.muli %scan3A_24, %mul3A_25 : i32
      %add3A_27 = arith.constant 0 : i32
      %add3A_28 = arith.addi %add3A_27, %mul3A_26 : i32
      %mul3A_29 = arith.constant 640 : i32
      %mul3A_30 = arith.muli %arg1, %mul3A_29 : i32
      %mul3A_31 = arith.constant 128 : i32
      %mul3A_32 = arith.muli %add3A_28, %mul3A_31 : i32
      %add3A_33 = arith.addi %mul3A_30, %mul3A_32 : i32
      "tpu.region"() ({
        %run_scoped3A = tpu.sem_alloc : memref<!tpu.dma_semaphore, #tpu.memory_space<semaphore_mem>>
        %dma_start3A = arith.constant 0 : i32
        %dma_start3A_37 = tpu.memref_slice %arg10[%add3A_33, %dma_start3A] : memref<10240x128xf32, #tpu.memory_space<vmem_shared>> -> memref<128x128xf32, #tpu.memory_space<vmem_shared>>
        %dma_start3A_38 = arith.constant 0 : i32
        %dma_start3A_39 = tpu.memref_slice %arg10[%add3A_33, %dma_start3A_38] : memref<10240x128xf32, #tpu.memory_space<vmem_shared>> -> memref<128x128xf32, #tpu.memory_space<vmem_shared>>
        tpu.enqueue_dma source(%dma_start3A_39 : memref<128x128xf32, #tpu.memory_space<vmem_shared>>) target(%arg9 : memref<128x128xf32, #tpu.memory_space<vmem>>) target_semaphore(%run_scoped3A : memref<!tpu.dma_semaphore, #tpu.memory_space<semaphore_mem>>)
        %dma_wait3A = arith.constant 0 : i32
        %dma_wait3A_40 = tpu.memref_slice %arg10[%add3A_33, %dma_wait3A] : memref<10240x128xf32, #tpu.memory_space<vmem_shared>> -> memref<128x128xf32, #tpu.memory_space<vmem_shared>>
        %dma_wait3A_41 = arith.constant 0 : i32
        %dma_wait3A_42 = tpu.memref_slice %arg10[%add3A_33, %dma_wait3A_41] : memref<10240x128xf32, #tpu.memory_space<vmem_shared>> -> memref<128x128xf32, #tpu.memory_space<vmem_shared>>
        tpu.wait_dma2 semaphore(%run_scoped3A : memref<!tpu.dma_semaphore, #tpu.memory_space<semaphore_mem>>) src(%dma_wait3A_42 : memref<128x128xf32, #tpu.memory_space<vmem_shared>>) dst(%arg9 : memref<128x128xf32, #tpu.memory_space<vmem>>)
        tpu.yield
      }) : () -> ()
      %mul3A_34 = arith.constant 10240 : i32
      %mul3A_35 = arith.muli %arg0, %mul3A_34 : i32
      %add3A_36 = arith.addi %mul3A_35, %add3A_33 : i32
      "tpu.region"() ({
        %run_scoped3A = tpu.sem_alloc : memref<!tpu.dma_semaphore, #tpu.memory_space<semaphore_mem>>
        %dma_start3A = arith.constant 0 : i32
        %dma_start3A_37 = tpu.memref_slice %arg5[%add3A_36, %dma_start3A] : memref<20480x128xf32, #tpu.memory_space<hbm>> -> memref<128x128xf32, #tpu.memory_space<hbm>>
        %dma_start3A_38 = arith.constant 0 : i32
        %dma_start3A_39 = tpu.memref_slice %arg5[%add3A_36, %dma_start3A_38] : memref<20480x128xf32, #tpu.memory_space<hbm>> -> memref<128x128xf32, #tpu.memory_space<hbm>>
        tpu.enqueue_dma source(%arg9 : memref<128x128xf32, #tpu.memory_space<vmem>>) target(%dma_start3A_39 : memref<128x128xf32, #tpu.memory_space<hbm>>) target_semaphore(%run_scoped3A : memref<!tpu.dma_semaphore, #tpu.memory_space<semaphore_mem>>)
        %dma_wait3A = arith.constant 0 : i32
        %dma_wait3A_40 = tpu.memref_slice %arg5[%add3A_36, %dma_wait3A] : memref<20480x128xf32, #tpu.memory_space<hbm>> -> memref<128x128xf32, #tpu.memory_space<hbm>>
        %dma_wait3A_41 = arith.constant 0 : i32
        %dma_wait3A_42 = tpu.memref_slice %arg5[%add3A_36, %dma_wait3A_41] : memref<20480x128xf32, #tpu.memory_space<hbm>> -> memref<128x128xf32, #tpu.memory_space<hbm>>
        tpu.wait_dma2 semaphore(%run_scoped3A : memref<!tpu.dma_semaphore, #tpu.memory_space<semaphore_mem>>) src(%arg9 : memref<128x128xf32, #tpu.memory_space<vmem>>) dst(%dma_wait3A_42 : memref<128x128xf32, #tpu.memory_space<hbm>>)
        tpu.yield
      }) : () -> ()
    }
    %scan3A_23 = arith.constant 5 : i32
    return
  }
}

module attributes {stable_mosaic.version = 14 : i64} {
  func.func @_tc1_body(%arg0: i32, %arg1: memref<1000x128xf32, #tpu.memory_space<vmem>>, %arg2: memref<128x128xf32, #tpu.memory_space<vmem>>, %arg3: memref<1x128xf32, #tpu.memory_space<vmem>>, %arg4: memref<128x128xf32, #tpu.memory_space<vmem>>, %arg5: memref<1000x128xf32, #tpu.memory_space<vmem>>, %arg6: memref<1000x128xf32, #tpu.memory_space<vmem>>) attributes {dimension_semantics = [#tpu.dimension_semantics<arbitrary>], iteration_bounds = array<i64: 10>, scalar_prefetch = 0 : i64, scratch_operands = 0 : i64, tpu.core_type = #tpu.core_type<tc>, window_params = [{transform_indices = @transform_0, window_bounds = array<i64: 1000, 128>}, {pipeline_mode = #tpu.pipeline_mode<synchronous>, transform_indices = @transform_1, window_bounds = array<i64: 128, 128>}, {pipeline_mode = #tpu.pipeline_mode<synchronous>, transform_indices = @transform_2, window_bounds = array<i64: 1, 128>}, {pipeline_mode = #tpu.pipeline_mode<synchronous>, transform_indices = @transform_3, window_bounds = array<i64: 128, 128>}, {transform_indices = @transform_4, window_bounds = array<i64: 1000, 128>}, {transform_indices = @transform_5, window_bounds = array<i64: 1000, 128>}]} {
    %get3A = arith.constant 0 : index
    %get3A_0 = arith.constant 0 : index
    %get3A_1 = vector.load %arg1[%get3A, %get3A_0] : memref<1000x128xf32, #tpu.memory_space<vmem>>, vector<1000x128xf32>
    %get3A_2 = arith.constant 0 : index
    %get3A_3 = arith.constant 0 : index
    %get3A_4 = vector.load %arg2[%get3A_2, %get3A_3] : memref<128x128xf32, #tpu.memory_space<vmem>>, vector<128x128xf32>
    %dot_general3A = arith.constant dense<0.000000e+00> : vector<1000x128xf32>
    %dot_general3A_5 = tpu.matmul %get3A_1, %get3A_4, %dot_general3A {dimension_numbers = #tpu.dot_dimension_numbers<[1], [0], [0], [1], [0, 0, 1, 1], [], []>, transpose_lhs_hint = false} : vector<1000x128xf32>, vector<128x128xf32>, vector<1000x128xf32> -> vector<1000x128xf32>
    %get3A_6 = arith.constant 0 : index
    %get3A_7 = arith.constant 0 : index
    %get3A_8 = vector.load %arg3[%get3A_6, %get3A_7] : memref<1x128xf32, #tpu.memory_space<vmem>>, vector<1x128xf32>
    %add3A = vector.broadcast %get3A_8 : vector<1x128xf32> to vector<1000x128xf32>
    %add3A_9 = arith.addf %dot_general3A_5, %add3A : vector<1000x128xf32>
    %max3A = arith.constant 0.000000e+00 : f32
    %max3A_10 = vector.broadcast %max3A : f32 to vector<1000x128xf32>
    %max3A_11 = arith.maximumf %add3A_9, %max3A_10 : vector<1000x128xf32>
    %swap3A = arith.constant 0 : index
    %swap3A_12 = arith.constant 0 : index
    %swap3A_13 = vector.load %arg5[%swap3A, %swap3A_12] : memref<1000x128xf32, #tpu.memory_space<vmem>>, vector<1000x128xf32>
    tpu.vector_store %arg5[%swap3A, %swap3A_12], %max3A_11 {strides = array<i32>} : memref<1000x128xf32, #tpu.memory_space<vmem>>, vector<1000x128xf32>,
    %get3A_14 = arith.constant 0 : index
    %get3A_15 = arith.constant 0 : index
    %get3A_16 = vector.load %arg4[%get3A_14, %get3A_15] : memref<128x128xf32, #tpu.memory_space<vmem>>, vector<128x128xf32>
    %dot_general3A_17 = arith.constant dense<0.000000e+00> : vector<1000x128xf32>
    %dot_general3A_18 = tpu.matmul %max3A_11, %get3A_16, %dot_general3A_17 {dimension_numbers = #tpu.dot_dimension_numbers<[1], [0], [0], [1], [0, 0, 1, 1], [], []>, transpose_lhs_hint = false} : vector<1000x128xf32>, vector<128x128xf32>, vector<1000x128xf32> -> vector<1000x128xf32>
    %swap3A_19 = arith.constant 0 : index
    %swap3A_20 = arith.constant 0 : index
    %swap3A_21 = vector.load %arg6[%swap3A_19, %swap3A_20] : memref<1000x128xf32, #tpu.memory_space<vmem>>, vector<1000x128xf32>
    tpu.vector_store %arg6[%swap3A_19, %swap3A_20], %dot_general3A_18 {strides = array<i32>} : memref<1000x128xf32, #tpu.memory_space<vmem>>, vector<1000x128xf32>,
    return
  }
  func.func @transform_0(%arg0: i32) -> (i32, i32) {
    %c0_i32 = arith.constant 0 : i32
    %c0_i32_0 = arith.constant 0 : i32
    return %arg0, %c0_i32 : i32, i32
  }
  func.func @transform_1(%arg0: i32) -> (i32, i32) {
    %c0_i32 = arith.constant 0 : i32
    %c0_i32_0 = arith.constant 0 : i32
    %c0_i32_1 = arith.constant 0 : i32
    return %c0_i32, %c0_i32_0 : i32, i32
  }
  func.func @transform_2(%arg0: i32) -> (i32, i32) {
    %c0_i32 = arith.constant 0 : i32
    %c0_i32_0 = arith.constant 0 : i32
    %c0_i32_1 = arith.constant 0 : i32
    return %c0_i32, %c0_i32_0 : i32, i32
  }
  func.func @transform_3(%arg0: i32) -> (i32, i32) {
    %c0_i32 = arith.constant 0 : i32
    %c0_i32_0 = arith.constant 0 : i32
    %c0_i32_1 = arith.constant 0 : i32
    return %c0_i32, %c0_i32_0 : i32, i32
  }
  func.func @transform_4(%arg0: i32) -> (i32, i32) {
    %c0_i32 = arith.constant 0 : i32
    %c0_i32_0 = arith.constant 0 : i32
    return %arg0, %c0_i32 : i32, i32
  }
  func.func @transform_5(%arg0: i32) -> (i32, i32) {
    %c0_i32 = arith.constant 0 : i32
    %c0_i32_0 = arith.constant 0 : i32
    return %arg0, %c0_i32 : i32, i32
  }
}

module attributes {stable_mosaic.version = 14 : i64} {
  func.func @_tc2_body(%arg0: i32, %arg1: memref<2x1000x128xf32, #tpu.memory_space<vmem>>, %arg2: memref<2x1000x16xf32, #tpu.memory_space<vmem>>, %arg3: memref<1000x128xf32, #tpu.memory_space<vmem>>, %arg4: memref<1x128xf32, #tpu.memory_space<vmem>>, %arg5: memref<128x128xf32, #tpu.memory_space<vmem>>, %arg6: memref<1000x128xf32, #tpu.memory_space<vmem>>) attributes {dimension_semantics = [#tpu.dimension_semantics<arbitrary>], iteration_bounds = array<i64: 10>, scalar_prefetch = 0 : i64, scratch_operands = 0 : i64, tpu.core_type = #tpu.core_type<tc>, window_params = [{transform_indices = @transform_0, window_bounds = array<i64: 2, 1000, 128>}, {transform_indices = @transform_1, window_bounds = array<i64: 2, 1000, 16>}, {transform_indices = @transform_2, window_bounds = array<i64: 1000, 128>}, {pipeline_mode = #tpu.pipeline_mode<synchronous>, transform_indices = @transform_3, window_bounds = array<i64: 1, 128>}, {pipeline_mode = #tpu.pipeline_mode<synchronous>, transform_indices = @transform_4, window_bounds = array<i64: 128, 128>}, {transform_indices = @transform_5, window_bounds = array<i64: 1000, 128>}]} {
    %get3A = arith.constant 0 : index
    %get3A_0 = arith.constant 0 : index
    %get3A_1 = arith.constant 0 : index
    %get3A_2 = vector.load %arg1[%get3A, %get3A_0, %get3A_1] : memref<2x1000x128xf32, #tpu.memory_space<vmem>>, vector<1x1000x128xf32>
    %get3A_3 = vector.shape_cast %get3A_2 : vector<1x1000x128xf32> to vector<1000x128xf32>
    %get3A_4 = arith.constant 1 : index
    %get3A_5 = arith.constant 0 : index
    %get3A_6 = arith.constant 0 : index
    %get3A_7 = vector.load %arg1[%get3A_4, %get3A_5, %get3A_6] : memref<2x1000x128xf32, #tpu.memory_space<vmem>>, vector<1x1000x128xf32>
    %get3A_8 = vector.shape_cast %get3A_7 : vector<1x1000x128xf32> to vector<1000x128xf32>
    %add3A = arith.addf %get3A_3, %get3A_8 : vector<1000x128xf32>
    %get3A_9 = arith.constant 0 : index
    %get3A_10 = arith.constant 0 : index
    %get3A_11 = arith.constant 0 : index
    %get3A_12 = vector.load %arg2[%get3A_9, %get3A_10, %get3A_11] : memref<2x1000x16xf32, #tpu.memory_space<vmem>>, vector<1x1000x16xf32>
    %get3A_13 = vector.shape_cast %get3A_12 : vector<1x1000x16xf32> to vector<1000x16xf32>
    %get3A_14 = arith.constant 1 : index
    %get3A_15 = arith.constant 0 : index
    %get3A_16 = arith.constant 0 : index
    %get3A_17 = vector.load %arg2[%get3A_14, %get3A_15, %get3A_16] : memref<2x1000x16xf32, #tpu.memory_space<vmem>>, vector<1x1000x16xf32>
    %get3A_18 = vector.shape_cast %get3A_17 : vector<1x1000x16xf32> to vector<1000x16xf32>
    %add3A_19 = arith.addf %get3A_13, %get3A_18 : vector<1000x16xf32>
    %slice3A = vector.extract_strided_slice %add3A_19 {offsets = [0, 0], sizes = [1000, 1], strides = [1, 1]} : vector<1000x16xf32> to vector<1000x1xf32>
    %max3A = arith.constant 1.000000e+00 : f32
    %max3A_20 = vector.broadcast %max3A : f32 to vector<1000x1xf32>
    %max3A_21 = arith.maximumf %slice3A, %max3A_20 : vector<1000x1xf32>
    %div3A = vector.broadcast %max3A_21 : vector<1000x1xf32> to vector<1000x128xf32>
    %div3A_22 = arith.divf %add3A, %div3A : vector<1000x128xf32>
    %get3A_23 = arith.constant 0 : index
    %get3A_24 = arith.constant 0 : index
    %get3A_25 = vector.load %arg4[%get3A_23, %get3A_24] : memref<1x128xf32, #tpu.memory_space<vmem>>, vector<1x128xf32>
    %add3A_26 = vector.broadcast %get3A_25 : vector<1x128xf32> to vector<1000x128xf32>
    %add3A_27 = arith.addf %div3A_22, %add3A_26 : vector<1000x128xf32>
    %max3A_28 = arith.constant 0.000000e+00 : f32
    %max3A_29 = vector.broadcast %max3A_28 : f32 to vector<1000x128xf32>
    %max3A_30 = arith.maximumf %add3A_27, %max3A_29 : vector<1000x128xf32>
    %get3A_31 = arith.constant 0 : index
    %get3A_32 = arith.constant 0 : index
    %get3A_33 = vector.load %arg3[%get3A_31, %get3A_32] : memref<1000x128xf32, #tpu.memory_space<vmem>>, vector<1000x128xf32>
    %add3A_34 = arith.addf %max3A_30, %get3A_33 : vector<1000x128xf32>
    %get3A_35 = arith.constant 0 : index
    %get3A_36 = arith.constant 0 : index
    %get3A_37 = vector.load %arg5[%get3A_35, %get3A_36] : memref<128x128xf32, #tpu.memory_space<vmem>>, vector<128x128xf32>
    %dot_general3A = arith.constant dense<0.000000e+00> : vector<1000x128xf32>
    %dot_general3A_38 = tpu.matmul %add3A_34, %get3A_37, %dot_general3A {dimension_numbers = #tpu.dot_dimension_numbers<[1], [0], [0], [1], [0, 0, 1, 1], [], []>, transpose_lhs_hint = false} : vector<1000x128xf32>, vector<128x128xf32>, vector<1000x128xf32> -> vector<1000x128xf32>
    %swap3A = arith.constant 0 : index
    %swap3A_39 = arith.constant 0 : index
    %swap3A_40 = vector.load %arg6[%swap3A, %swap3A_39] : memref<1000x128xf32, #tpu.memory_space<vmem>>, vector<1000x128xf32>
    tpu.vector_store %arg6[%swap3A, %swap3A_39], %dot_general3A_38 {strides = array<i32>} : memref<1000x128xf32, #tpu.memory_space<vmem>>, vector<1000x128xf32>,
    return
  }
  func.func @transform_0(%arg0: i32) -> (i32, i32, i32) {
    %c0_i32 = arith.constant 0 : i32
    %c0_i32_0 = arith.constant 0 : i32
    %c0_i32_1 = arith.constant 0 : i32
    return %c0_i32, %arg0, %c0_i32_0 : i32, i32, i32
  }
  func.func @transform_1(%arg0: i32) -> (i32, i32, i32) {
    %c0_i32 = arith.constant 0 : i32
    %c0_i32_0 = arith.constant 0 : i32
    %c0_i32_1 = arith.constant 0 : i32
    return %c0_i32, %arg0, %c0_i32_0 : i32, i32, i32
  }
  func.func @transform_2(%arg0: i32) -> (i32, i32) {
    %c0_i32 = arith.constant 0 : i32
    %c0_i32_0 = arith.constant 0 : i32
    return %arg0, %c0_i32 : i32, i32
  }
  func.func @transform_3(%arg0: i32) -> (i32, i32) {
    %c0_i32 = arith.constant 0 : i32
    %c0_i32_0 = arith.constant 0 : i32
    %c0_i32_1 = arith.constant 0 : i32
    return %c0_i32, %c0_i32_0 : i32, i32
  }
  func.func @transform_4(%arg0: i32) -> (i32, i32) {
    %c0_i32 = arith.constant 0 : i32
    %c0_i32_0 = arith.constant 0 : i32
    %c0_i32_1 = arith.constant 0 : i32
    return %c0_i32, %c0_i32_0 : i32, i32
  }
  func.func @transform_5(%arg0: i32) -> (i32, i32) {
    %c0_i32 = arith.constant 0 : i32
    %c0_i32_0 = arith.constant 0 : i32
    return %arg0, %c0_i32 : i32, i32
  }
}

module attributes {stable_mosaic.version = 14 : i64} {
  func.func @_tc3_body(%arg0: i32, %arg1: memref<2x1000x128xf32, #tpu.memory_space<vmem>>, %arg2: memref<2x1000x16xf32, #tpu.memory_space<vmem>>, %arg3: memref<1x128xf32, #tpu.memory_space<vmem>>, %arg4: memref<1000x128xf32, #tpu.memory_space<vmem>>) attributes {dimension_semantics = [#tpu.dimension_semantics<arbitrary>], iteration_bounds = array<i64: 10>, scalar_prefetch = 0 : i64, scratch_operands = 0 : i64, tpu.core_type = #tpu.core_type<tc>, window_params = [{transform_indices = @transform_0, window_bounds = array<i64: 2, 1000, 128>}, {transform_indices = @transform_1, window_bounds = array<i64: 2, 1000, 16>}, {pipeline_mode = #tpu.pipeline_mode<synchronous>, transform_indices = @transform_2, window_bounds = array<i64: 1, 128>}, {transform_indices = @transform_3, window_bounds = array<i64: 1000, 128>}]} {
    %get3A = arith.constant 0 : index
    %get3A_0 = arith.constant 0 : index
    %get3A_1 = arith.constant 0 : index
    %get3A_2 = vector.load %arg1[%get3A, %get3A_0, %get3A_1] : memref<2x1000x128xf32, #tpu.memory_space<vmem>>, vector<1x1000x128xf32>
    %get3A_3 = vector.shape_cast %get3A_2 : vector<1x1000x128xf32> to vector<1000x128xf32>
    %get3A_4 = arith.constant 1 : index
    %get3A_5 = arith.constant 0 : index
    %get3A_6 = arith.constant 0 : index
    %get3A_7 = vector.load %arg1[%get3A_4, %get3A_5, %get3A_6] : memref<2x1000x128xf32, #tpu.memory_space<vmem>>, vector<1x1000x128xf32>
    %get3A_8 = vector.shape_cast %get3A_7 : vector<1x1000x128xf32> to vector<1000x128xf32>
    %add3A = arith.addf %get3A_3, %get3A_8 : vector<1000x128xf32>
    %get3A_9 = arith.constant 0 : index
    %get3A_10 = arith.constant 0 : index
    %get3A_11 = arith.constant 0 : index
    %get3A_12 = vector.load %arg2[%get3A_9, %get3A_10, %get3A_11] : memref<2x1000x16xf32, #tpu.memory_space<vmem>>, vector<1x1000x16xf32>
    %get3A_13 = vector.shape_cast %get3A_12 : vector<1x1000x16xf32> to vector<1000x16xf32>
    %get3A_14 = arith.constant 1 : index
    %get3A_15 = arith.constant 0 : index
    %get3A_16 = arith.constant 0 : index
    %get3A_17 = vector.load %arg2[%get3A_14, %get3A_15, %get3A_16] : memref<2x1000x16xf32, #tpu.memory_space<vmem>>, vector<1x1000x16xf32>
    %get3A_18 = vector.shape_cast %get3A_17 : vector<1x1000x16xf32> to vector<1000x16xf32>
    %add3A_19 = arith.addf %get3A_13, %get3A_18 : vector<1000x16xf32>
    %slice3A = vector.extract_strided_slice %add3A_19 {offsets = [0, 0], sizes = [1000, 1], strides = [1, 1]} : vector<1000x16xf32> to vector<1000x1xf32>
    %max3A = arith.constant 1.000000e+00 : f32
    %max3A_20 = vector.broadcast %max3A : f32 to vector<1000x1xf32>
    %max3A_21 = arith.maximumf %slice3A, %max3A_20 : vector<1000x1xf32>
    %div3A = vector.broadcast %max3A_21 : vector<1000x1xf32> to vector<1000x128xf32>
    %div3A_22 = arith.divf %add3A, %div3A : vector<1000x128xf32>
    %get3A_23 = arith.constant 0 : index
    %get3A_24 = arith.constant 0 : index
    %get3A_25 = vector.load %arg3[%get3A_23, %get3A_24] : memref<1x128xf32, #tpu.memory_space<vmem>>, vector<1x128xf32>
    %add3A_26 = vector.broadcast %get3A_25 : vector<1x128xf32> to vector<1000x128xf32>
    %add3A_27 = arith.addf %div3A_22, %add3A_26 : vector<1000x128xf32>
    %mul3A = arith.mulf %add3A_27, %add3A_27 : vector<1000x128xf32>
    %reduce_sum3A = arith.constant dense<0.000000e+00> : vector<1000xf32>
    %reduce_sum3A_28 = vector.multi_reduction <add>, %mul3A, %reduce_sum3A [1] : vector<1000x128xf32> to vector<1000xf32>
    %broadcast_in_dim3A = vector.shape_cast %reduce_sum3A_28 : vector<1000xf32> to vector<1000x1xf32>
    %sqrt3A = math.sqrt %broadcast_in_dim3A : vector<1000x1xf32>
    %max3A_29 = arith.constant 9.99999996E-13 : f32
    %max3A_30 = vector.broadcast %max3A_29 : f32 to vector<1000x1xf32>
    %max3A_31 = arith.maximumf %sqrt3A, %max3A_30 : vector<1000x1xf32>
    %div3A_32 = vector.broadcast %max3A_31 : vector<1000x1xf32> to vector<1000x128xf32>
    %div3A_33 = arith.divf %add3A_27, %div3A_32 : vector<1000x128xf32>
    %swap3A = arith.constant 0 : index
    %swap3A_34 = arith.constant 0 : index
    %swap3A_35 = vector.load %arg4[%swap3A, %swap3A_34] : memref<1000x128xf32, #tpu.memory_space<vmem>>, vector<1000x128xf32>
    tpu.vector_store %arg4[%swap3A, %swap3A_34], %div3A_33 {strides = array<i32>} : memref<1000x128xf32, #tpu.memory_space<vmem>>, vector<1000x128xf32>,
    return
  }
  func.func @transform_0(%arg0: i32) -> (i32, i32, i32) {
    %c0_i32 = arith.constant 0 : i32
    %c0_i32_0 = arith.constant 0 : i32
    %c0_i32_1 = arith.constant 0 : i32
    return %c0_i32, %arg0, %c0_i32_0 : i32, i32, i32
  }
  func.func @transform_1(%arg0: i32) -> (i32, i32, i32) {
    %c0_i32 = arith.constant 0 : i32
    %c0_i32_0 = arith.constant 0 : i32
    %c0_i32_1 = arith.constant 0 : i32
    return %c0_i32, %arg0, %c0_i32_0 : i32, i32, i32
  }
  func.func @transform_2(%arg0: i32) -> (i32, i32) {
    %c0_i32 = arith.constant 0 : i32
    %c0_i32_0 = arith.constant 0 : i32
    %c0_i32_1 = arith.constant 0 : i32
    return %c0_i32, %c0_i32_0 : i32, i32
  }
  func.func @transform_3(%arg0: i32) -> (i32, i32) {
    %c0_i32 = arith.constant 0 : i32
    %c0_i32_0 = arith.constant 0 : i32
    return %arg0, %c0_i32 : i32, i32
  }
}

</mosaic_0001>

<sc_bundles>
// kernel: kernel.10.cloned.1.call-start
scs
__scs_entry_jumppad:
0x0: {  	(pc) =	sbr.rel $0x88, $3  }
0x1: {  	(tag) =	ssettag $0x0;
	lr =	simm.s32 $0x1  }
0x2: {  	[smem:$0x3F99] =	sst lr;
	_ =	strace $0xD0000000  }
0x3: {  	_ = 	snop  }
0x4: {  	_ = 	snop  }
0x5: {  	_ = 	snop  }
0x6: {  	_ = 	snop  }
0x7: {  	_ = 	snop  }
__scs_overlays_trampoline_lowered:
0x8: {  	[smem:$0x3FA8] =	sst s0  }
0x9: {  	[smem:$0x3FA9] =	sst s1  }
0xa: {  	[smem:$0x3FAA] =	sst s2  }
0xb: {  	[smem:$0x3FAB] =	sst s3  }
0xc: {  	[smem:$0x3FAC] =	sst s4  }
0xd: {  	[smem:$0x3FAD] =	sst s5  }
0xe: {  	[smem:$0x3FAE] =	sst s6  }
0xf: {  	[smem:$0x3FAF] =	sst s7  }
0x10: {  	[smem:$0x3FB0] =	sst s8  }
0x11: {  	[smem:$0x3FB1] =	sst s9;
	s0 =	simm.s32 @!p0 $0x0  }
0x12: {  	s1 =	sld [smem:$0x3F97];
	s0 =	simm.s32 @p0 $0x1  }
0x13: {  	[smem:$0x3FB2] =	sst s0;
	s0 =	simm.s32 @!p1 $0x0  }
0x14: {  	s2 =	sld [smem:$0x3F96];
	s0 =	simm.s32 @p1 $0x1  }
0x15: {  	[smem:$0x3FB3] =	sst s0;
	s0 =	simm.s32 @!p2 $0x0  }
0x16: {  	s3 =	sld [smem:$0x3FDB];
	s0 =	simm.s32 @p2 $0x1  }
0x17: {  	s4 =	simm.s32 $0x1BF5;
	[smem:$0x3FB5] =	sst s0  }
0x18: {  	s0 =	sld [smem:$0x3F98];
	_ =	swait.ge [sflag:s4], $0x0  }
0x19: {  	s7 =	sld [smem:$0x3F99]  }
0x1a: {  	s8 =	sadd.s32 $0xFFFFE003, lr  }
0x1b: {  	s9 =	sadd.s32 $0xFFFFFEF7, lr;
	s5 =	simm.s32 $0xFFFFFFFF;
	p2 =	slt.u32 s8, $0xFFFFF086  }
0x1c: {  	p1 =	slt.u32 s9, $0xF7A;
	s5 =	simm.s32 @!p2 $0x0  }
0x1d: {  	s5 =	simm.s32 @p1 $0x1;
	p0 =	seq.s32 s7, s2  }
0x1e: {  	s7 =	smul.u32 @!p0 $0xF7A, s2;
	p2 =	seq.s32 @!p0 s5, $0x0  }
0x1f: {  	s9 =	smul.u32 $0xF7A, s1;
	s8 =	simm.s32 @!p0 $0x1BF5;
	p2 =	por !p2, p0  }
0x20: {  	[sflag:s8] =	ssyncset.s32 @!p0 $0xFFFFF086;
	s6 =	sadd.s32 @!p0 s3, s7;
	s7 =	simm.s32 @!p0 $0x108  }
0x21: {  	s3 =	sadd.s32 s3, s9;
	s6 =	sadd.s32 @!p0 $0x88, s6;
	s7 =	simm.s32 @p2 $0x1082  }
0x22: {  	[simem:s7], [sflag:s8] =	dma.local @!p0 [hbm:s6], $0xF7A  }
0x23: {  	s9 =	sor.u32 $0xD0000000, s2;
	s6 =	simm.s32 $0x108;
	_ =	swait.ge @!p0 [sflag:s8], $0x0  }
0x24: {  	s3 =	sadd.s32 $0x88, s3;
	s6 =	simm.s32 @!p1 $0x1082;
	[sflag:s4] =	ssyncset.s32 $0xFFFFF086  }
0x25: {  	[simem:s6], [sflag:s4] =	dma.local [hbm:s3], $0xF7A  }
0x26: {  	[smem:$0x3F99] =	sst s1;
	(tag) =	ssettag s2;
	_ =	strace s9  }
0x27: {  	s1 =	sld [smem:$0x3FA9]  }
0x28: {  	s2 =	sld [smem:$0x3FAA]  }
0x29: {  	s4 =	sld [smem:$0x3FAC]  }
0x2a: {  	p0 =	seq.s32 s5, $0x0;
	s5 =	sld [smem:$0x3FAD]  }
0x2b: {  	s6 =	sld [smem:$0x3FAE]  }
0x2c: {  	s7 =	sld [smem:$0x3FAF]  }
0x2d: {  	s3 =	simm.s32 $0x108;
	s8 =	sld [smem:$0x3FB0]  }
0x2e: {  	s3 =	simm.s32 @!p0 $0x1082;
	s9 =	sld [smem:$0x3FB1]  }
0x2f: {  	lr =	sadd.s32 s0, s3;
	s0 =	sld [smem:$0x3FA8]  }
0x30: {  	s3 =	sld [smem:$0x3FAB]  }
0x31: {  	[smem:$0x3FB4] =	sst s10  }
0x32: {  	s10 =	sld [smem:$0x3FB2];
	_ =	sdelay $0x3  }
0x33: {  	p0 =	seq.s32 s10, $0x1;
	s10 =	sld [smem:$0x3FB4];
	_ =	sdelay $0x3  }
0x34: {  	[smem:$0x3FB4] =	sst s10  }
0x35: {  	s10 =	sld [smem:$0x3FB3];
	_ =	sdelay $0x3  }
0x36: {  	p1 =	seq.s32 s10, $0x1;
	s10 =	sld [smem:$0x3FB4];
	_ =	sdelay $0x3  }
0x37: {  	[smem:$0x3FB4] =	sst s10  }
0x38: {  	s10 =	sld [smem:$0x3FB5]  }
0x39: {  	_ = 	snop;
	(pc) =	sbr.ind lr, $3  }
0x3a: {  	_ = 	snop  }
0x3b: {  	_ = 	snop  }
0x3c: {  	p2 =	seq.s32 s10, $0x1;
	s10 =	sld [smem:$0x3FB4]  }
0x3d: {  	_ =	shalt  }
0x3e: {  	_ =	shalt  }
0x3f: {  	_ =	shalt  }
0x40: {  	_ =	shalt  }
0x41: {  	_ =	shalt  }
0x42: {  	_ =	shalt  }
0x43: {  	_ =	shalt  }
0x44: {  	_ =	shalt  }
0x45: {  	_ =	shalt  }
0x46: {  	_ =	shalt  }
0x47: {  	_ =	shalt  }
0x48: {  	_ =	shalt  }
0x49: {  	_ =	shalt  }
0x4a: {  	_ =	shalt  }
0x4b: {  	_ =	shalt  }
0x4c: {  	_ =	shalt  }
0x4d: {  	_ =	shalt  }
0x4e: {  	_ =	shalt  }
0x4f: {  	_ =	shalt  }
0x50: {  	_ =	shalt  }
0x51: {  	_ =	shalt  }
0x52: {  	_ =	shalt  }
0x53: {  	_ =	shalt  }
0x54: {  	_ =	shalt  }
0x55: {  	_ =	shalt  }
0x56: {  	_ =	shalt  }
0x57: {  	_ =	shalt  }
0x58: {  	_ =	shalt  }
0x59: {  	_ =	shalt  }
0x5a: {  	_ =	shalt  }
0x5b: {  	_ =	shalt  }
0x5c: {  	_ =	shalt  }
0x5d: {  	_ =	shalt  }
0x5e: {  	_ =	shalt  }
0x5f: {  	_ =	shalt  }
0x60: {  	_ =	shalt  }
0x61: {  	_ =	shalt  }
0x62: {  	_ =	shalt  }
0x63: {  	_ =	shalt  }
0x64: {  	_ =	shalt  }
0x65: {  	_ =	shalt  }
0x66: {  	_ =	shalt  }
0x67: {  	_ =	shalt  }
0x68: {  	_ =	shalt  }
0x69: {  	_ =	shalt  }
0x6a: {  	_ =	shalt  }
0x6b: {  	_ =	shalt  }
0x6c: {  	_ =	shalt  }
0x6d: {  	_ =	shalt  }
0x6e: {  	_ =	shalt  }
0x6f: {  	_ =	shalt  }
0x70: {  	_ =	shalt  }
0x71: {  	_ =	shalt  }
0x72: {  	_ =	shalt  }
0x73: {  	_ =	shalt  }
0x74: {  	_ =	shalt  }
0x75: {  	_ =	shalt  }
0x76: {  	_ =	shalt  }
0x77: {  	_ =	shalt  }
0x78: {  	_ =	shalt  }
0x79: {  	_ =	shalt  }
0x7a: {  	_ =	shalt  }
0x7b: {  	_ =	shalt  }
0x7c: {  	_ =	shalt  }
0x7d: {  	_ =	shalt  }
0x7e: {  	_ =	shalt  }
0x7f: {  	_ =	shalt  }
0x80: {  	_ =	shalt  }
0x81: {  	_ =	shalt  }
0x82: {  	_ =	shalt  }
0x83: {  	_ =	shalt  }
0x84: {  	_ =	shalt  }
0x85: {  	_ =	shalt  }
0x86: {  	_ =	shalt  }
0x87: {  	_ =	shalt  }
.Lfunc_end0:
.L_simem_size_0:
called_computation.1_lowered:
.L_overlay_start_0:
0x88: {  	s2 =	sld [smem:$0x3FD9]  }
0x89: {  	s3 =	sld [smem:$0x3FFE];
	_ =	sdelay $0x1  }
0x8a: {  	s1 =	srdreg.scid  }
0x8b: {  	s0 =	sand.u32 $0x1, s1  }
0x8c: {  	s17 =	sshll.u32 s0, $0xA;
	s2 =	sadd.s32 s3, s2  }
0x8d: {  	s2 =	sadd.s32 s2, s17  }
0x8e: {  	[smem:$0x3FC0] =	sst s2  }
0x8f: {  	_ = 	snop  }
0x90: {  	s2 =	sld [smem:$0x3FD0];
	(tm) =	ssettm $0x1  }
0x91: {  	s18 =	sld [smem:$0x3FFB];
	_ =	sdelay $0x3  }
0x92: {  	_ =	strace s18  }
0x93: {  	s3 =	sld [smem:$0x3FFC];
	_ =	sdelay $0x3  }
0x94: {  	_ =	strace s3  }
0x95: {  	s3 =	sld [smem:$0x3FFD];
	_ =	sdelay $0x3  }
0x96: {  	_ =	strace s3  }
0x97: {  	_ =	strace $0x8FFFFFFF  }
0x98: {  	s19 =	sld [smem:$0x3FDB];
	_ =	sdelay $0x1  }
0x99: {  	s4 =	simm.s32 $_scs_section_size  }
0x9a: {  	s5 =	simm.s32 $_size__tile_overlayer_lowered;
	s6 =	simm.s32 $_tile_overlayer_lowered  }
0x9b: {  	s22 =	simm.s32 $0x1BFF;
	s21 =	sshll.u32 s6, $0x1;
	s3 =	sadd.s32 s4, s19  }
0x9c: {  	s7 =	simm.s32 $0x0;
	s20 =	sshll.u32 s5, $0x1;
	s5 =	sadd.s32 s21, s3  }
0x9d: {  	[timem:s7], [sflag:s22] =	dma.local [hbm:s5], s20  }
0x9e: {  	_ =	swait.ge [sflag:s22], s20  }
0x9f: {  	s4 =	ssub.s32 $0x0, s20;
	[sflag:s22] =	ssyncset.done $0x0  }
0xa0: {  	[sflag:s22] =	ssyncadd.s32 s4;
	_ =	sdelay $0x1  }
0xa1: {  	s23 =	simm.s32 $0x1B8B  }
0xa2: {  	_ =	swait.ge [sflag:s23], $0x1  }
0xa3: {  	[sflag:s23] =	ssyncset.done $0x0  }
0xa4: {  	s25 =	simm.s32 $0x1B8E;
	s24 =	sld [smem:$0x3FFE];
	[sflag:s23] =	ssyncadd.s32 $0xFFFFFFFF  }
0xa5: {  	s26 =	simm.s32 $execute0_lowered;
	[smem:$0x3FD2] =	sst s25  }
0xa6: {  	s5 =	sshll.u32 s26, $0x1;
	_ =	strace $0x80000049;
	[dreg:$0x1] =	wrdreg $0xFFFFFFFF  }
0xa7: {  	s28 =	simm.s32 $_size_execute0_lowered;
	s3 =	sadd.s32 s3, s5;
	[dreg:$0x0] =	wrdreg $0x0  }
0xa8: {  	s5 =	sshll.u32 s28, $0x1;
	[dreg:$0x2] =	wrdreg s3  }
0xa9: {  	[dreg:$0x3] =	wrdreg s5  }
0xaa: {  	[dreg:$0x4] =	wrdreg $0xC0  }
0xab: {  	_ =	task [dreg:s7], $0x5FFFF  }
0xac: {  	[dreg:$0x1] =	wrdreg $0xFFFFFFFF  }
0xad: {  	[dreg:$0x0] =	wrdreg $0x60  }
0xae: {  	[dreg:$0x2] =	wrdreg s2  }
0xaf: {  	[dreg:$0x3] =	wrdreg s24  }
0xb0: {  	[dreg:$0x4] =	wrdreg $0x68A00  }
0xb1: {  	[dreg:$0x5] =	wrdreg $0x9  }
0xb2: {  	_ =	task.clear_ibuf [dreg:s7], $0x6FFFF;
	_ =	strace $0x90000049  }
0xb3: {  	s29 =	simm.s32 $0x9;
	_ =	strace $0x8000004B  }
0xb4: {  	_ =	swait.ge [sflag:s29], $0x1  }
0xb5: {  	[sflag:s29] =	ssyncadd.s32 $0xFFFFFFFF  }
0xb6: {  	_ =	strace $0x9000004B  }
0xb7: {  	_ =	sfence  }
0xb8: {  	s30 =	sld [smem:$0x0];
	_ =	sdelay $0x2  }
0xb9: {  	s31 =	sshll.u32 s1, $0xD;
	s1 =	sshrl.u32 s1, $0x2  }
0xba: {  	s3 =	sand.u32 $0x4000, s31;
	s1 =	sadd.s32 s1, s30  }
0xbb: {  	s0 =	sor.u32 s3, s0;
	s1 =	sshll.u32 s1, $0x11  }
0xbc: {  	s0 =	sor.u32 s1, s0  }
0xbd: {  	s0 =	sadd.s32 $0x8F2B, s0  }
0xbe: {  	[sflag:s0] =	ssyncadd.remote.s32 $0x1  }
0xbf: {  	_ =	sfence.sel $0xFFFF  }
0xc0: {  	[dreg:$0x0] =	wrdreg $0xFFFFFFFF;
	(pc) =	sbr.abs _section_cstart, $3  }
0xc1: {  	[dreg:$0x1] =	wrdreg $0xFFFFFFFF  }
0xc2: {  	_ =	task.clear_ibuf [dreg:s7], $0x2FFFF;
	_ =	strace $0x9FFFFFFF  }
0xc3: {  	(tm) =	ssettm $0x7FFFFFFF  }
tec
execute0_lowered:
.L_overlay_start_1:
0x0: {  	(tag) =	ssettag $0x1  }
0x1: {  	s0 =	rddreg [dreg:$0x0]  }
0x2: {  	s5 =	rddreg [dreg:$0x1];
	s1 =	srdreg.scid  }
0x3: {  	s3 =	rddreg [dreg:$0x2];
	s25 =	stileid.u32;
	s4 =	simm.s32 $0x0  }
0x4: {  	s24 =	simm.s32 $0x50;
	s28 =	simm.s32 $0x0;
	s8 =	smul.u32 $0x2710, s25  }
0x5: {  	s6 =	sand.u32 $0x1, s1;
	[smem:$0x7FF] =	sst s4;
	s9 =	smul.u32 $0x50000, s25  }
0x6: {  	s17 =	smul.u32 $0x280, s25;
	s19 =	sadd.s32 $0x16400, s5;
	s25 =	simm.s32 $0xA0  }
0x7: {  	s7 =	smul.u32 $0x27100, s6;
	_ =	strace $0x8000004A;
	s26 =	ssub.s32 $0x2, s6  }
0x8: {  	s18 =	smul.u32 $0x2800, s6;
	s29 =	sshrl.u32 s26, $0x1;
	s30 =	sshrl.u32 s9, $0x2  }
0x9: {  	s12 =	sadd.s32 $0x80, s17;
	s14 =	sadd.s32 $0x100, s17;
	s20 =	sadd.s32 $0x180, s17  }
0xa: {  	s7 =	sadd.s32 s8, s7;
	s10 =	sadd.s32 s18, s17;
	s13 =	sadd.s32 s18, s12  }
0xb: {  	s12 =	sshll.u32 s12, $0x7;
	s15 =	sadd.s32 s18, s14;
	s14 =	sshll.u32 s14, $0x7  }
0xc: {  	s16 =	sshll.u32 s20, $0x7;
	s20 =	sadd.s32 s18, s20;
	s17 =	sadd.s32 $0x200, s17  }
0xd: {  	s7 =	sshrl.u32 s7, $0x3;
	s11 =	sshll.u32 s10, $0x4;
	s13 =	sshll.u32 s13, $0x4  }
0xe: {  	s12 =	sadd.s32 s12, s3;
	s15 =	sshll.u32 s15, $0x4;
	s14 =	sadd.s32 s14, s3  }
0xf: {  	s16 =	sadd.s32 s16, s3;
	s20 =	sshll.u32 s20, $0x4;
	s22 =	sshll.u32 s17, $0x7  }
0x10: {  	s23 =	sadd.s32 s18, s17;
	s21 =	sadd.s32 s7, s5;
	s7 =	ssub.s32 s26, s29  }
0x11: {  	s5 =	sadd.s32 s30, s3;
	s11 =	sadd.s32 s19, s11;
	s13 =	sadd.s32 s19, s13  }
0x12: {  	s15 =	sadd.s32 s19, s15;
	s17 =	sadd.s32 s19, s20;
	s18 =	sadd.s32 s22, s3  }
0x13: {  	s31 =	sshll.u32 s23, $0x4;
	s22 =	simm.s32 $0x28A0;
	s23 =	simm.s32 $0x2  }
0x14: {  	s26 =	simm.s32 $0x1;
	s6 =	smax.u32 s7, $0x1;
	s7 =	sadd.s32 $0x4000, s5  }
0x15: {  	s8 =	sadd.s32 $0x8000, s5;
	s9 =	sadd.s32 $0xC000, s5;
	s10 =	sadd.s32 $0x10000, s5  }
0x16: {  	v0 =	vimm.f32 $0.0e+00;
	s19 =	sadd.s32 s19, s31;
	s20 =	sadd.s32 $0x2800, s21;
	s21 =	sadd.s32 $0xC600, s21  }
.LBB2_1:
0x17: {  	s29 =	simm.s32 $0x0;
	s30 =	simm.s32 $0x200  }
.LBB2_2:
0x18: {  	p0 =	sne.s32 s30, $0xFE00;
	[tilespmem:s29+$0x2910] =	vst v0  }
0x19: {  	[tilespmem:s29+$0x28A0] =	vst v0  }
0x1a: {  	[tilespmem:s29+$0x28B0] =	vst v0  }
.Ltmp0:
0x1b: {  	[tilespmem:s29+$0x28C0] =	vst v0;
	(pc) =	sbr.rel @p0 .LBB2_2-.Ltmp0, $4  }
0x1c: {  	[tilespmem:s29+$0x28D0] =	vst v0  }
0x1d: {  	[tilespmem:s29+$0x28E0] =	vst v0  }
0x1e: {  	[tilespmem:s29+$0x28F0] =	vst v0  }
0x1f: {  	[tilespmem:s29+$0x2900] =	vst v0;
	s29 =	sshra.s32 s30, $0x2;
	s30 =	sadd.s32 $0x200, s30  }
0x20: {  	[tilespmem:s29+$0x2910] =	vst v0  }
0x21: {  	[tilespmem:s29+$0x28A0] =	vst v0  }
0x22: {  	[tilespmem:s29+$0x28B0] =	vst v0  }
0x23: {  	[tilespmem:s29+$0x28C0] =	vst v0  }
0x24: {  	[tilespmem:s29+$0x28D0] =	vst v0  }
0x25: {  	[tilespmem:s29+$0x28E0] =	vst v0  }
0x26: {  	[tilespmem:s29+$0x28F0] =	vst v0  }
0x27: {  	[tilespmem:s29+$0x2900] =	vst v0  }
0x28: {  	[spmem:s5] =	stream.linear.scatter [tilespmem:s22], [sflag:$0x2], $0x4000, $0x38;
	[tilespmem:$0x1A8A0] =	vst v63  }
0x29: {  	_ =	swait.ge [sflag:s23], $0x4000  }
0x2a: {  	[sflag:s23] =	ssyncset.done $0x0  }
0x2b: {  	[sflag:s23] =	ssyncadd.s32 $0xFFFFC000  }
0x2c: {  	[spmem:s7] =	stream.linear.scatter [tilespmem:s22], [sflag:$0x2], $0x4000, $0x38;
	[tilespmem:$0x1A8A0] =	vst v63  }
0x2d: {  	_ =	swait.ge [sflag:s23], $0x4000  }
0x2e: {  	[sflag:s23] =	ssyncset.done $0x0  }
0x2f: {  	[sflag:s23] =	ssyncadd.s32 $0xFFFFC000  }
0x30: {  	[spmem:s8] =	stream.linear.scatter [tilespmem:s22], [sflag:$0x2], $0x4000, $0x38;
	[tilespmem:$0x1A8A0] =	vst v63  }
0x31: {  	_ =	swait.ge [sflag:s23], $0x4000  }
0x32: {  	[sflag:s23] =	ssyncset.done $0x0  }
0x33: {  	[sflag:s23] =	ssyncadd.s32 $0xFFFFC000  }
0x34: {  	[spmem:s9] =	stream.linear.scatter [tilespmem:s22], [sflag:$0x2], $0x4000, $0x38;
	[tilespmem:$0x1A8A0] =	vst v63  }
0x35: {  	_ =	swait.ge [sflag:s23], $0x4000  }
0x36: {  	[sflag:s23] =	ssyncset.done $0x0  }
0x37: {  	[sflag:s23] =	ssyncadd.s32 $0xFFFFC000  }
0x38: {  	[spmem:s10] =	stream.linear.scatter [tilespmem:s22], [sflag:$0x2], $0x4000, $0x38;
	[tilespmem:$0x1A8A0] =	vst v63  }
0x39: {  	_ =	swait.ge [sflag:s23], $0x4000  }
0x3a: {  	[sflag:s23] =	ssyncset.done $0x0  }
0x3b: {  	[sflag:s23] =	ssyncadd.s32 $0xFFFFC000  }
0x3c: {  	s29 =	sadd.s32 $0x0, s21;
	[bflag:$0x0] =	sbarrier.arrive $0xFFFF  }
0x3d: {  	[tilespmem:s4], [sflag:$0x2] =	stream.linear.gather [hbm4b:s29+s4], $0x50, $0x38;
	[tilespmem:$0x1A8A0] =	vst v63  }
0x3e: {  	_ =	swait.ge [sflag:s23], $0x50  }
0x3f: {  	[sflag:s23] =	ssyncset.done $0x0  }
0x40: {  	[sflag:s23] =	ssyncadd.s32 $0xFFFFFFB0  }
0x41: {  	[tilespmem:s25], [sflag:$0x1] =	stream.indirect.gather [hbm4b:s0+s24], $0x80, s4, s24, $0xb8;
	[tilespmem:$0x1A8A0] =	vst v63  }
0x42: {  	_ =	swait.ge [sflag:s26], $0x2800  }
0x43: {  	[sflag:s26] =	ssyncset.done $0x0  }
0x44: {  	s29 =	sadd.s32 $0x0, s20;
	[sflag:s26] =	ssyncadd.s32 $0xFFFFD800  }
0x45: {  	[tilespmem:s24], [sflag:$0x2] =	stream.linear.gather [hbm4b:s29+s4], $0x50, $0x38;
	[tilespmem:$0x1A8A0] =	vst v63  }
0x46: {  	_ =	swait.ge [sflag:s23], $0x50  }
0x47: {  	[sflag:s23] =	ssyncset.done $0x0  }
0x48: {  	[sflag:s23] =	ssyncadd.s32 $0xFFFFFFB0  }
0x49: {  	[spmem:s3] =	stream.indirect.scatter.add.f32 [tilespmem:s25], [sflag:$0x2], $0x80, s24, s24, $0xb8;
	[tilespmem:$0x1A8A0] =	vst v63  }
0x4a: {  	_ =	swait.ge [sflag:s23], $0x2800  }
0x4b: {  	s30 =	simm.s32 $0x14;
	s29 =	simm.s32 $0xA;
	[sflag:s23] =	ssyncset.done $0x0  }
.LBB2_4:
0x4c: {  	s31 =	sadd.s32 s29, s21  }
0x4d: {  	[sflag:s23] =	ssyncadd.s32 $0xFFFFD800;
	s1 =	smov.u32 s30;
	s2 =	sadd.s32 $0xA, s30  }
0x4e: {  	[tilespmem:s4], [sflag:$0x2] =	stream.linear.gather [hbm4b:s31+s4], $0x50, $0x38;
	[tilespmem:$0x1A8A0] =	vst v63  }
0x4f: {  	p0 =	sne.s32 s30, $0x4D8;
	_ =	swait.ge [sflag:s23], $0x50  }
0x50: {  	[sflag:s23] =	ssyncset.done $0x0  }
0x51: {  	[sflag:s23] =	ssyncadd.s32 $0xFFFFFFB0  }
0x52: {  	[tilespmem:s25], [sflag:$0x1] =	stream.indirect.gather [hbm4b:s0+s24], $0x80, s4, s24, $0xb8;
	[tilespmem:$0x1A8A0] =	vst v63  }
0x53: {  	_ =	swait.ge [sflag:s26], $0x2800  }
0x54: {  	[sflag:s26] =	ssyncset.done $0x0  }
0x55: {  	s30 =	sadd.s32 s29, s20;
	s29 =	smov.u32 s1;
	[sflag:s26] =	ssyncadd.s32 $0xFFFFD800  }
0x56: {  	[tilespmem:s24], [sflag:$0x2] =	stream.linear.gather [hbm4b:s30+s4], $0x50, $0x38;
	[tilespmem:$0x1A8A0] =	vst v63  }
0x57: {  	_ =	swait.ge [sflag:s23], $0x50  }
.Ltmp1:
0x58: {  	[sflag:s23] =	ssyncset.done $0x0;
	(pc) =	sbr.rel @p0 .LBB2_4-.Ltmp1, $4  }
0x59: {  	[sflag:s23] =	ssyncadd.s32 $0xFFFFFFB0  }
0x5a: {  	[spmem:s3] =	stream.indirect.scatter.add.f32 [tilespmem:s25], [sflag:$0x2], $0x80, s24, s24, $0xb8;
	[tilespmem:$0x1A8A0] =	vst v63  }
0x5b: {  	_ =	swait.ge [sflag:s23], $0x2800  }
0x5c: {  	s30 =	smov.u32 s2;
	[sflag:s23] =	ssyncset.done $0x0  }
0x5d: {  	s1 =	sadd.s32 s29, s21;
	[sflag:s23] =	ssyncadd.s32 $0xFFFFD800  }
0x5e: {  	[tilespmem:s4], [sflag:$0x2] =	stream.linear.gather [hbm4b:s1+s4], $0x50, $0x38;
	[tilespmem:$0x1A8A0] =	vst v63  }
0x5f: {  	_ =	swait.ge [sflag:s23], $0x50  }
0x60: {  	[sflag:s23] =	ssyncset.done $0x0  }
0x61: {  	[sflag:s23] =	ssyncadd.s32 $0xFFFFFFB0  }
0x62: {  	[tilespmem:s25], [sflag:$0x1] =	stream.indirect.gather [hbm4b:s0+s24], $0x80, s4, s24, $0xb8;
	[tilespmem:$0x1A8A0] =	vst v63  }
0x63: {  	_ =	swait.ge [sflag:s26], $0x2800  }
0x64: {  	[sflag:s26] =	ssyncset.done $0x0  }
0x65: {  	s31 =	sadd.s32 s29, s20;
	[sflag:s26] =	ssyncadd.s32 $0xFFFFD800  }
0x66: {  	[tilespmem:s24], [sflag:$0x2] =	stream.linear.gather [hbm4b:s31+s4], $0x50, $0x38;
	[tilespmem:$0x1A8A0] =	vst v63  }
0x67: {  	_ =	swait.ge [sflag:s23], $0x50  }
0x68: {  	[sflag:s23] =	ssyncset.done $0x0  }
0x69: {  	[sflag:s23] =	ssyncadd.s32 $0xFFFFFFB0  }
0x6a: {  	[spmem:s3] =	stream.indirect.scatter.add.f32 [tilespmem:s25], [sflag:$0x2], $0x80, s24, s24, $0xb8;
	[tilespmem:$0x1A8A0] =	vst v63  }
0x6b: {  	_ =	swait.ge [sflag:s23], $0x2800  }
0x6c: {  	[sflag:s23] =	ssyncset.done $0x0  }
0x6d: {  	[sflag:s23] =	ssyncadd.s32 $0xFFFFD800  }
0x6e: {  	[bflag:$0x0] =	sbarrier.arrive $0xFFFF  }
0x6f: {  	[tilespmem:s22], [sflag:$0x2] =	stream.linear.gather [spmem:s5], $0x4000, $0x38;
	[tilespmem:$0x1A8A0] =	vst v63  }
0x70: {  	_ =	swait.ge [sflag:s23], $0x4000  }
0x71: {  	[sflag:s23] =	ssyncset.done $0x0  }
0x72: {  	[sflag:s23] =	ssyncadd.s32 $0xFFFFC000  }
0x73: {  	[hbm4b:s11+s4] =	stream.linear.scatter [tilespmem:s22], [sflag:$0x2], $0x4000, $0x38;
	[tilespmem:$0x1A8A0] =	vst v63  }
0x74: {  	_ =	swait.ge [sflag:s23], $0x4000  }
0x75: {  	[sflag:s23] =	ssyncset.done $0x0  }
0x76: {  	[sflag:s23] =	ssyncadd.s32 $0xFFFFC000  }
0x77: {  	[tilespmem:s22], [sflag:$0x2] =	stream.linear.gather [spmem:s12], $0x4000, $0x38;
	[tilespmem:$0x1A8A0] =	vst v63  }
0x78: {  	_ =	swait.ge [sflag:s23], $0x4000  }
0x79: {  	[sflag:s23] =	ssyncset.done $0x0  }
0x7a: {  	[sflag:s23] =	ssyncadd.s32 $0xFFFFC000  }
0x7b: {  	[hbm4b:s13+s4] =	stream.linear.scatter [tilespmem:s22], [sflag:$0x2], $0x4000, $0x38;
	[tilespmem:$0x1A8A0] =	vst v63  }
0x7c: {  	_ =	swait.ge [sflag:s23], $0x4000  }
0x7d: {  	[sflag:s23] =	ssyncset.done $0x0  }
0x7e: {  	[sflag:s23] =	ssyncadd.s32 $0xFFFFC000  }
0x7f: {  	[tilespmem:s22], [sflag:$0x2] =	stream.linear.gather [spmem:s14], $0x4000, $0x38;
	[tilespmem:$0x1A8A0] =	vst v63  }
0x80: {  	_ =	swait.ge [sflag:s23], $0x4000  }
0x81: {  	[sflag:s23] =	ssyncset.done $0x0  }
0x82: {  	[sflag:s23] =	ssyncadd.s32 $0xFFFFC000  }
0x83: {  	[hbm4b:s15+s4] =	stream.linear.scatter [tilespmem:s22], [sflag:$0x2], $0x4000, $0x38;
	[tilespmem:$0x1A8A0] =	vst v63  }
0x84: {  	_ =	swait.ge [sflag:s23], $0x4000  }
0x85: {  	[sflag:s23] =	ssyncset.done $0x0  }
0x86: {  	[sflag:s23] =	ssyncadd.s32 $0xFFFFC000  }
0x87: {  	[tilespmem:s22], [sflag:$0x2] =	stream.linear.gather [spmem:s16], $0x4000, $0x38;
	[tilespmem:$0x1A8A0] =	vst v63  }
0x88: {  	_ =	swait.ge [sflag:s23], $0x4000  }
0x89: {  	[sflag:s23] =	ssyncset.done $0x0  }
0x8a: {  	[sflag:s23] =	ssyncadd.s32 $0xFFFFC000  }
0x8b: {  	[hbm4b:s17+s4] =	stream.linear.scatter [tilespmem:s22], [sflag:$0x2], $0x4000, $0x38;
	[tilespmem:$0x1A8A0] =	vst v63  }
0x8c: {  	_ =	swait.ge [sflag:s23], $0x4000  }
0x8d: {  	[sflag:s23] =	ssyncset.done $0x0  }
0x8e: {  	[sflag:s23] =	ssyncadd.s32 $0xFFFFC000  }
0x8f: {  	[tilespmem:s22], [sflag:$0x2] =	stream.linear.gather [spmem:s18], $0x4000, $0x38;
	[tilespmem:$0x1A8A0] =	vst v63  }
0x90: {  	s28 =	sadd.s32 $0x1, s28;
	_ =	swait.ge [sflag:s23], $0x4000  }
0x91: {  	p0 =	sne.s32 s28, s6;
	[sflag:s23] =	ssyncset.done $0x0  }
.Ltmp2:
0x92: {  	[sflag:s23] =	ssyncadd.s32 $0xFFFFC000;
	(pc) =	sbr.rel @p0 .LBB2_1-.Ltmp2, $4  }
0x93: {  	[hbm4b:s19+s4] =	stream.linear.scatter [tilespmem:s22], [sflag:$0x2], $0x4000, $0x38;
	[tilespmem:$0x1A8A0] =	vst v63  }
0x94: {  	_ =	swait.ge [sflag:s23], $0x4000  }
0x95: {  	[sflag:s23] =	ssyncset.done $0x0  }
0x96: {  	[sflag:s23] =	ssyncadd.s32 $0xFFFFC000  }
0x97: {  	_ =	sfence.sel $0x180000  }
0x98: {  	[bflag:$0x0] =	sbarrier.arrive $0xFFFF  }
0x99: {  	_ =	strace $0x9000004A  }
0x9a: {  	s0 =	stileid.u32;
	[bflag:$0x2] =	sbarrier.arrive $0xFFFF  }
0x9b: {  	p0 =	sne.s32 s0, $0x0;
	s0 =	rddreg [dreg:$0x3]  }
0x9c: {  	s0 =	sadd.s32 @!p0 $0x100000, s0  }
0x9d: {  	[sflag:s0] =	ssyncadd.tile.s32 @!p0 $0x1;
	_ =	shalt  }
.Lfunc_end2:
_tile_overlayer_lowered:
.L_overlay_start_2:
0x9e: {  	(tag) =	ssettag $0x2  }
0x9f: {  	s0 =	rddreg [dreg:$0x0];
	s2 =	stileid.u32  }
0xa0: {  	s1 =	rddreg [dreg:$0x1];
	p0 =	sne.s32 s2, $0x0  }
0xa1: {  	s3 =	rddreg [dreg:$0x2];
	[bflag:$0x3] =	sbarrier.arrive $0xFFFF;
	s2 =	simm.s32 @!p0 $0x1C02  }
0xa2: {  	[timem:s3], [sflag:s2] =	dma.local @!p0 [hbm:s0], s1  }
0xa3: {  	s0 =	simm.s32 @!p0 $0x2  }
0xa4: {  	_ =	swait.ge @!p0 [sflag:s0], s1  }
0xa5: {  	s1 =	ssub.s32 @!p0 $0x0, s1;
	[sflag:s0] =	ssyncset.done @!p0 $0x0  }
0xa6: {  	[sflag:s0] =	ssyncadd.s32 @!p0 s1  }
0xa7: {  	[bflag:$0x3] =	sbarrier.arrive $0xFFFF  }
0xa8: {  	_ =	shalt  }

// kernel: kernel.7.cloned.1.call-start
scs
__scs_entry_jumppad:
0x0: {  	(pc) =	sbr.rel $0x88, $3  }
0x1: {  	(tag) =	ssettag $0x0;
	lr =	simm.s32 $0x1  }
0x2: {  	[smem:$0x3F99] =	sst lr;
	_ =	strace $0xD0000000  }
0x3: {  	_ = 	snop  }
0x4: {  	_ = 	snop  }
0x5: {  	_ = 	snop  }
0x6: {  	_ = 	snop  }
0x7: {  	_ = 	snop  }
__scs_overlays_trampoline_lowered:
0x8: {  	[smem:$0x3FA8] =	sst s0  }
0x9: {  	[smem:$0x3FA9] =	sst s1  }
0xa: {  	[smem:$0x3FAA] =	sst s2  }
0xb: {  	[smem:$0x3FAB] =	sst s3  }
0xc: {  	[smem:$0x3FAC] =	sst s4  }
0xd: {  	[smem:$0x3FAD] =	sst s5  }
0xe: {  	[smem:$0x3FAE] =	sst s6  }
0xf: {  	[smem:$0x3FAF] =	sst s7  }
0x10: {  	[smem:$0x3FB0] =	sst s8  }
0x11: {  	[smem:$0x3FB1] =	sst s9;
	s0 =	simm.s32 @!p0 $0x0  }
0x12: {  	s1 =	sld [smem:$0x3F97];
	s0 =	simm.s32 @p0 $0x1  }
0x13: {  	[smem:$0x3FB2] =	sst s0;
	s0 =	simm.s32 @!p1 $0x0  }
0x14: {  	s2 =	sld [smem:$0x3F96];
	s0 =	simm.s32 @p1 $0x1  }
0x15: {  	[smem:$0x3FB3] =	sst s0;
	s0 =	simm.s32 @!p2 $0x0  }
0x16: {  	s3 =	sld [smem:$0x3FDB];
	s0 =	simm.s32 @p2 $0x1  }
0x17: {  	s4 =	simm.s32 $0x1BF5;
	[smem:$0x3FB5] =	sst s0  }
0x18: {  	s0 =	sld [smem:$0x3F98];
	_ =	swait.ge [sflag:s4], $0x0  }
0x19: {  	s7 =	sld [smem:$0x3F99]  }
0x1a: {  	s8 =	sadd.s32 $0xFFFFE003, lr  }
0x1b: {  	s9 =	sadd.s32 $0xFFFFFEF7, lr;
	s5 =	simm.s32 $0xFFFFFFFF;
	p2 =	slt.u32 s8, $0xFFFFF086  }
0x1c: {  	p1 =	slt.u32 s9, $0xF7A;
	s5 =	simm.s32 @!p2 $0x0  }
0x1d: {  	s5 =	simm.s32 @p1 $0x1;
	p0 =	seq.s32 s7, s2  }
0x1e: {  	s7 =	smul.u32 @!p0 $0xF7A, s2;
	p2 =	seq.s32 @!p0 s5, $0x0  }
0x1f: {  	s9 =	smul.u32 $0xF7A, s1;
	s8 =	simm.s32 @!p0 $0x1BF5;
	p2 =	por !p2, p0  }
0x20: {  	[sflag:s8] =	ssyncset.s32 @!p0 $0xFFFFF086;
	s6 =	sadd.s32 @!p0 s3, s7;
	s7 =	simm.s32 @!p0 $0x108  }
0x21: {  	s3 =	sadd.s32 s3, s9;
	s6 =	sadd.s32 @!p0 $0x88, s6;
	s7 =	simm.s32 @p2 $0x1082  }
0x22: {  	[simem:s7], [sflag:s8] =	dma.local @!p0 [hbm:s6], $0xF7A  }
0x23: {  	s9 =	sor.u32 $0xD0000000, s2;
	s6 =	simm.s32 $0x108;
	_ =	swait.ge @!p0 [sflag:s8], $0x0  }
0x24: {  	s3 =	sadd.s32 $0x88, s3;
	s6 =	simm.s32 @!p1 $0x1082;
	[sflag:s4] =	ssyncset.s32 $0xFFFFF086  }
0x25: {  	[simem:s6], [sflag:s4] =	dma.local [hbm:s3], $0xF7A  }
0x26: {  	[smem:$0x3F99] =	sst s1;
	(tag) =	ssettag s2;
	_ =	strace s9  }
0x27: {  	s1 =	sld [smem:$0x3FA9]  }
0x28: {  	s2 =	sld [smem:$0x3FAA]  }
0x29: {  	s4 =	sld [smem:$0x3FAC]  }
0x2a: {  	p0 =	seq.s32 s5, $0x0;
	s5 =	sld [smem:$0x3FAD]  }
0x2b: {  	s6 =	sld [smem:$0x3FAE]  }
0x2c: {  	s7 =	sld [smem:$0x3FAF]  }
0x2d: {  	s3 =	simm.s32 $0x108;
	s8 =	sld [smem:$0x3FB0]  }
0x2e: {  	s3 =	simm.s32 @!p0 $0x1082;
	s9 =	sld [smem:$0x3FB1]  }
0x2f: {  	lr =	sadd.s32 s0, s3;
	s0 =	sld [smem:$0x3FA8]  }
0x30: {  	s3 =	sld [smem:$0x3FAB]  }
0x31: {  	[smem:$0x3FB4] =	sst s10  }
0x32: {  	s10 =	sld [smem:$0x3FB2];
	_ =	sdelay $0x3  }
0x33: {  	p0 =	seq.s32 s10, $0x1;
	s10 =	sld [smem:$0x3FB4];
	_ =	sdelay $0x3  }
0x34: {  	[smem:$0x3FB4] =	sst s10  }
0x35: {  	s10 =	sld [smem:$0x3FB3];
	_ =	sdelay $0x3  }
0x36: {  	p1 =	seq.s32 s10, $0x1;
	s10 =	sld [smem:$0x3FB4];
	_ =	sdelay $0x3  }
0x37: {  	[smem:$0x3FB4] =	sst s10  }
0x38: {  	s10 =	sld [smem:$0x3FB5]  }
0x39: {  	_ = 	snop;
	(pc) =	sbr.ind lr, $3  }
0x3a: {  	_ = 	snop  }
0x3b: {  	_ = 	snop  }
0x3c: {  	p2 =	seq.s32 s10, $0x1;
	s10 =	sld [smem:$0x3FB4]  }
0x3d: {  	_ =	shalt  }
0x3e: {  	_ =	shalt  }
0x3f: {  	_ =	shalt  }
0x40: {  	_ =	shalt  }
0x41: {  	_ =	shalt  }
0x42: {  	_ =	shalt  }
0x43: {  	_ =	shalt  }
0x44: {  	_ =	shalt  }
0x45: {  	_ =	shalt  }
0x46: {  	_ =	shalt  }
0x47: {  	_ =	shalt  }
0x48: {  	_ =	shalt  }
0x49: {  	_ =	shalt  }
0x4a: {  	_ =	shalt  }
0x4b: {  	_ =	shalt  }
0x4c: {  	_ =	shalt  }
0x4d: {  	_ =	shalt  }
0x4e: {  	_ =	shalt  }
0x4f: {  	_ =	shalt  }
0x50: {  	_ =	shalt  }
0x51: {  	_ =	shalt  }
0x52: {  	_ =	shalt  }
0x53: {  	_ =	shalt  }
0x54: {  	_ =	shalt  }
0x55: {  	_ =	shalt  }
0x56: {  	_ =	shalt  }
0x57: {  	_ =	shalt  }
0x58: {  	_ =	shalt  }
0x59: {  	_ =	shalt  }
0x5a: {  	_ =	shalt  }
0x5b: {  	_ =	shalt  }
0x5c: {  	_ =	shalt  }
0x5d: {  	_ =	shalt  }
0x5e: {  	_ =	shalt  }
0x5f: {  	_ =	shalt  }
0x60: {  	_ =	shalt  }
0x61: {  	_ =	shalt  }
0x62: {  	_ =	shalt  }
0x63: {  	_ =	shalt  }
0x64: {  	_ =	shalt  }
0x65: {  	_ =	shalt  }
0x66: {  	_ =	shalt  }
0x67: {  	_ =	shalt  }
0x68: {  	_ =	shalt  }
0x69: {  	_ =	shalt  }
0x6a: {  	_ =	shalt  }
0x6b: {  	_ =	shalt  }
0x6c: {  	_ =	shalt  }
0x6d: {  	_ =	shalt  }
0x6e: {  	_ =	shalt  }
0x6f: {  	_ =	shalt  }
0x70: {  	_ =	shalt  }
0x71: {  	_ =	shalt  }
0x72: {  	_ =	shalt  }
0x73: {  	_ =	shalt  }
0x74: {  	_ =	shalt  }
0x75: {  	_ =	shalt  }
0x76: {  	_ =	shalt  }
0x77: {  	_ =	shalt  }
0x78: {  	_ =	shalt  }
0x79: {  	_ =	shalt  }
0x7a: {  	_ =	shalt  }
0x7b: {  	_ =	shalt  }
0x7c: {  	_ =	shalt  }
0x7d: {  	_ =	shalt  }
0x7e: {  	_ =	shalt  }
0x7f: {  	_ =	shalt  }
0x80: {  	_ =	shalt  }
0x81: {  	_ =	shalt  }
0x82: {  	_ =	shalt  }
0x83: {  	_ =	shalt  }
0x84: {  	_ =	shalt  }
0x85: {  	_ =	shalt  }
0x86: {  	_ =	shalt  }
0x87: {  	_ =	shalt  }
.Lfunc_end0:
.L_simem_size_0:
called_computation_lowered:
.L_overlay_start_0:
0x88: {  	s2 =	sld [smem:$0x3FD9]  }
0x89: {  	s3 =	sld [smem:$0x3FFE];
	_ =	sdelay $0x1  }
0x8a: {  	s1 =	srdreg.scid  }
0x8b: {  	s0 =	sand.u32 $0x1, s1  }
0x8c: {  	s17 =	sshll.u32 s0, $0xA;
	s2 =	sadd.s32 s3, s2  }
0x8d: {  	s2 =	sadd.s32 s2, s17  }
0x8e: {  	[smem:$0x3FC0] =	sst s2  }
0x8f: {  	_ = 	snop  }
0x90: {  	s2 =	sld [smem:$0x3FD0];
	(tm) =	ssettm $0x1  }
0x91: {  	s18 =	sld [smem:$0x3FFB];
	_ =	sdelay $0x3  }
0x92: {  	_ =	strace s18  }
0x93: {  	s3 =	sld [smem:$0x3FFC];
	_ =	sdelay $0x3  }
0x94: {  	_ =	strace s3  }
0x95: {  	s3 =	sld [smem:$0x3FFD];
	_ =	sdelay $0x3  }
0x96: {  	_ =	strace s3  }
0x97: {  	_ =	strace $0x8FFFFFFF  }
0x98: {  	s19 =	sld [smem:$0x3FDB];
	_ =	sdelay $0x1  }
0x99: {  	s4 =	simm.s32 $_scs_section_size  }
0x9a: {  	s5 =	simm.s32 $_size__tile_overlayer_lowered;
	s6 =	simm.s32 $_tile_overlayer_lowered  }
0x9b: {  	s22 =	simm.s32 $0x1BFF;
	s21 =	sshll.u32 s6, $0x1;
	s3 =	sadd.s32 s4, s19  }
0x9c: {  	s7 =	simm.s32 $0x0;
	s20 =	sshll.u32 s5, $0x1;
	s5 =	sadd.s32 s21, s3  }
0x9d: {  	[timem:s7], [sflag:s22] =	dma.local [hbm:s5], s20  }
0x9e: {  	_ =	swait.ge [sflag:s22], s20  }
0x9f: {  	s4 =	ssub.s32 $0x0, s20;
	[sflag:s22] =	ssyncset.done $0x0  }
0xa0: {  	[sflag:s22] =	ssyncadd.s32 s4;
	_ =	sdelay $0x1  }
0xa1: {  	s23 =	simm.s32 $0x1B8B  }
0xa2: {  	_ =	swait.ge [sflag:s23], $0x1  }
0xa3: {  	[sflag:s23] =	ssyncset.done $0x0  }
0xa4: {  	s25 =	simm.s32 $0x1B8E;
	s24 =	sld [smem:$0x3FFE];
	[sflag:s23] =	ssyncadd.s32 $0xFFFFFFFF  }
0xa5: {  	s26 =	simm.s32 $execute0_lowered;
	[smem:$0x3FD2] =	sst s25  }
0xa6: {  	s5 =	sshll.u32 s26, $0x1;
	_ =	strace $0x80000046;
	[dreg:$0x1] =	wrdreg $0xFFFFFFFF  }
0xa7: {  	s28 =	simm.s32 $_size_execute0_lowered;
	s3 =	sadd.s32 s3, s5;
	[dreg:$0x0] =	wrdreg $0x0  }
0xa8: {  	s5 =	sshll.u32 s28, $0x1;
	[dreg:$0x2] =	wrdreg s3  }
0xa9: {  	[dreg:$0x3] =	wrdreg s5  }
0xaa: {  	[dreg:$0x4] =	wrdreg $0xC0  }
0xab: {  	_ =	task [dreg:s7], $0x5FFFF  }
0xac: {  	[dreg:$0x1] =	wrdreg $0xFFFFFFFF  }
0xad: {  	[dreg:$0x0] =	wrdreg $0x60  }
0xae: {  	[dreg:$0x2] =	wrdreg s2  }
0xaf: {  	[dreg:$0x3] =	wrdreg s24  }
0xb0: {  	[dreg:$0x4] =	wrdreg $0x68A00  }
0xb1: {  	[dreg:$0x5] =	wrdreg $0x1D5A00  }
0xb2: {  	[dreg:$0x6] =	wrdreg $0x9  }
0xb3: {  	_ =	task.clear_ibuf [dreg:s7], $0x7FFFF;
	_ =	strace $0x90000046  }
0xb4: {  	s29 =	simm.s32 $0x9;
	_ =	strace $0x80000048  }
0xb5: {  	_ =	swait.ge [sflag:s29], $0x1  }
0xb6: {  	[sflag:s29] =	ssyncadd.s32 $0xFFFFFFFF  }
0xb7: {  	_ =	strace $0x90000048  }
0xb8: {  	_ =	sfence  }
0xb9: {  	s30 =	sld [smem:$0x0];
	_ =	sdelay $0x2  }
0xba: {  	s31 =	sshll.u32 s1, $0xD;
	s1 =	sshrl.u32 s1, $0x2  }
0xbb: {  	s3 =	sand.u32 $0x4000, s31;
	s1 =	sadd.s32 s1, s30  }
0xbc: {  	s0 =	sor.u32 s3, s0;
	s1 =	sshll.u32 s1, $0x11  }
0xbd: {  	s0 =	sor.u32 s1, s0  }
0xbe: {  	s0 =	sadd.s32 $0x8F2B, s0  }
0xbf: {  	[sflag:s0] =	ssyncadd.remote.s32 $0x1  }
0xc0: {  	_ =	sfence.sel $0xFFFF  }
0xc1: {  	[dreg:$0x0] =	wrdreg $0xFFFFFFFF;
	(pc) =	sbr.abs _section_cstart, $3  }
0xc2: {  	[dreg:$0x1] =	wrdreg $0xFFFFFFFF  }
0xc3: {  	_ =	task.clear_ibuf [dreg:s7], $0x2FFFF;
	_ =	strace $0x9FFFFFFF  }
0xc4: {  	(tm) =	ssettm $0x7FFFFFFF  }
0xc5: {  	_ =	shalt  }
tec
execute0_lowered:
.L_overlay_start_1:
0x0: {  	(tag) =	ssettag $0x1  }
0x1: {  	s0 =	rddreg [dreg:$0x0]  }
0x2: {  	s1 =	rddreg [dreg:$0x1]  }
0x3: {  	s2 =	srdreg.scid;
	s10 =	stileid.u32  }
0x4: {  	s3 =	rddreg [dreg:$0x2];
	s7 =	smul.u32 $0x2710, s10  }
0x5: {  	s4 =	rddreg [dreg:$0x3];
	s8 =	smul.u32 $0x280, s10  }
0x6: {  	s5 =	simm.s32 $0x0;
	s28 =	simm.s32 $0x1ADA0;
	s23 =	smul.u32 $0x50000, s10  }
0x7: {  	s29 =	simm.s32 $0x50;
	s2 =	sand.u32 $0x1, s2;
	s10 =	smul.u32 $0xA000, s10  }
0x8: {  	s30 =	simm.s32 $0xA0;
	s31 =	simm.s32 $0x1;
	s6 =	smul.u32 $0x27100, s2  }
0x9: {  	[smem:$0x7FF] =	sst s5;
	s9 =	smul.u32 $0x2800, s2;
	s2 =	ssub.s32 $0x2, s2  }
0xa: {  	s22 =	sadd.s32 $0x20400, s1;
	_ =	strace $0x80000047;
	s26 =	sshrl.u32 s2, $0x1  }
0xb: {  	s10 =	sshrl.u32 s10, $0x2;
	s17 =	sadd.s32 $0x80, s8;
	s21 =	sadd.s32 $0x180, s8  }
0xc: {  	s6 =	sadd.s32 s7, s6;
	s13 =	sadd.s32 s8, s9;
	s7 =	sshrl.u32 s23, $0x2  }
0xd: {  	s2 =	ssub.s32 s2, s26;
	s6 =	sshrl.u32 s6, $0x3;
	s25 =	sshll.u32 s13, $0x1  }
0xe: {  	s11 =	smax.u32 s2, $0x1;
	s24 =	sadd.s32 s6, s1;
	s1 =	sadd.s32 s25, s1  }
0xf: {  	s6 =	sadd.s32 s7, s3;
	[dreg:$0x6] =	wrdreg s11;
	s1 =	sadd.s32 $0x16400, s1  }
0x10: {  	s18 =	sshll.u32 s17, $0x7;
	s12 =	sadd.s32 $0x4000, s6;
	[dreg:$0x5] =	wrdreg s1  }
0x11: {  	s23 =	sshll.u32 s21, $0x7;
	s14 =	sadd.s32 $0x8000, s6;
	[dreg:$0x7] =	wrdreg s12  }
0x12: {  	s16 =	sshll.u32 s13, $0x4;
	s15 =	sadd.s32 $0xC000, s6;
	[dreg:$0x8] =	wrdreg s14  }
0x13: {  	s7 =	sadd.s32 s10, s4;
	s13 =	sadd.s32 $0x10000, s6;
	[dreg:$0x9] =	wrdreg s15  }
0x14: {  	s14 =	sadd.s32 s22, s16;
	s1 =	sadd.s32 s9, s17;
	s17 =	sadd.s32 $0x100, s8  }
0x15: {  	s15 =	sadd.s32 s18, s3;
	s8 =	sadd.s32 $0x200, s8;
	s1 =	sshll.u32 s1, $0x4  }
0x16: {  	s19 =	sadd.s32 s9, s17;
	s20 =	sshll.u32 s17, $0x7;
	s25 =	sadd.s32 s9, s8  }
0x17: {  	s26 =	sshll.u32 s8, $0x7;
	s16 =	sadd.s32 s22, s1;
	s2 =	sshll.u32 s19, $0x4  }
0x18: {  	s17 =	sadd.s32 s20, s3;
	s1 =	sadd.s32 s9, s21;
	s19 =	sadd.s32 s23, s3  }
0x19: {  	s21 =	sadd.s32 s26, s3;
	s23 =	sadd.s32 $0x2800, s24;
	s24 =	sadd.s32 $0xC600, s24  }
0x1a: {  	s26 =	simm.s32 $0x2;
	s18 =	sadd.s32 s22, s2;
	s1 =	sshll.u32 s1, $0x4  }
0x1b: {  	s2 =	sshll.u32 s25, $0x4;
	s25 =	simm.s32 $0x28A0;
	s20 =	sadd.s32 s22, s1  }
0x1c: {  	v0 =	vimm.f32 $0.0e+00;
	v1 =	vimm.f32 $1.000000000e+00;
	s22 =	sadd.s32 s22, s2;
	s2 =	simm.s32 $0x1A8A0;
	s1 =	simm.s32 $0x0  }
.LBB2_1:
0x1d: {  	s8 =	simm.s32 $0x0;
	s9 =	simm.s32 $0x200  }
.LBB2_2:
0x1e: {  	p0 =	sne.s32 s9, $0xFE00;
	[tilespmem:s8+$0x2910] =	vst v0  }
0x1f: {  	[tilespmem:s8+$0x28A0] =	vst v0  }
0x20: {  	[tilespmem:s8+$0x28B0] =	vst v0  }
.Ltmp0:
0x21: {  	[tilespmem:s8+$0x28C0] =	vst v0;
	(pc) =	sbr.rel @p0 .LBB2_2-.Ltmp0, $4  }
0x22: {  	[tilespmem:s8+$0x28D0] =	vst v0  }
0x23: {  	[tilespmem:s8+$0x28E0] =	vst v0  }
0x24: {  	[tilespmem:s8+$0x28F0] =	vst v0  }
0x25: {  	[tilespmem:s8+$0x2900] =	vst v0;
	s8 =	sshra.s32 s9, $0x2;
	s9 =	sadd.s32 $0x200, s9  }
0x26: {  	[tilespmem:s8+$0x2910] =	vst v0  }
0x27: {  	[tilespmem:s8+$0x28A0] =	vst v0  }
0x28: {  	[tilespmem:s8+$0x28B0] =	vst v0  }
0x29: {  	[tilespmem:s8+$0x28C0] =	vst v0  }
0x2a: {  	[tilespmem:s8+$0x28D0] =	vst v0  }
0x2b: {  	[tilespmem:s8+$0x28E0] =	vst v0  }
0x2c: {  	[tilespmem:s8+$0x28F0] =	vst v0  }
0x2d: {  	[tilespmem:s8+$0x2900] =	vst v0  }
0x2e: {  	[spmem:s6] =	stream.linear.scatter [tilespmem:s25], [sflag:$0x2], $0x4000, $0x38;
	[tilespmem:$0x1FDA0] =	vst v63  }
0x2f: {  	_ =	swait.ge [sflag:s26], $0x4000  }
0x30: {  	[sflag:s26] =	ssyncset.done $0x0  }
0x31: {  	s10 =	rddreg [dreg:$0x7];
	[sflag:s26] =	ssyncadd.s32 $0xFFFFC000  }
0x32: {  	[spmem:s10] =	stream.linear.scatter [tilespmem:s25], [sflag:$0x2], $0x4000, $0x38;
	[tilespmem:$0x1FDA0] =	vst v63  }
0x33: {  	_ =	swait.ge [sflag:s26], $0x4000  }
0x34: {  	[sflag:s26] =	ssyncset.done $0x0  }
0x35: {  	s11 =	rddreg [dreg:$0x8];
	[sflag:s26] =	ssyncadd.s32 $0xFFFFC000  }
0x36: {  	[spmem:s11] =	stream.linear.scatter [tilespmem:s25], [sflag:$0x2], $0x4000, $0x38;
	[tilespmem:$0x1FDA0] =	vst v63  }
0x37: {  	_ =	swait.ge [sflag:s26], $0x4000  }
0x38: {  	[sflag:s26] =	ssyncset.done $0x0  }
0x39: {  	s12 =	rddreg [dreg:$0x9];
	[sflag:s26] =	ssyncadd.s32 $0xFFFFC000  }
0x3a: {  	[spmem:s12] =	stream.linear.scatter [tilespmem:s25], [sflag:$0x2], $0x4000, $0x38;
	[tilespmem:$0x1FDA0] =	vst v63  }
0x3b: {  	_ =	swait.ge [sflag:s26], $0x4000  }
0x3c: {  	[sflag:s26] =	ssyncset.done $0x0  }
0x3d: {  	[sflag:s26] =	ssyncadd.s32 $0xFFFFC000  }
0x3e: {  	[spmem:s13] =	stream.linear.scatter [tilespmem:s25], [sflag:$0x2], $0x4000, $0x38;
	[tilespmem:$0x1FDA0] =	vst v63  }
0x3f: {  	_ =	swait.ge [sflag:s26], $0x4000  }
0x40: {  	[sflag:s26] =	ssyncset.done $0x0  }
0x41: {  	s8 =	simm.s32 $0x40;
	s9 =	simm.s32 $0x0;
	[sflag:s26] =	ssyncadd.s32 $0xFFFFC000  }
.LBB2_4:
0x42: {  	p0 =	sne.s32 s8, $0x9FC0;
	[tilespmem:s9+$0x1ADA0] =	vst v0;
	s9 =	smov.u32 s8;
	s8 =	sadd.s32 $0x40, s8  }
.Ltmp1:
0x43: {  	(pc) =	sbr.rel @p0 .LBB2_4-.Ltmp1, $2  }
0x44: {  	_ =	sdelay $0x2  }
0x45: {  	s9 =	sshra.s32 s9, $0x2  }
0x46: {  	[tilespmem:s9+$0x1ADA0] =	vst v0;
	s8 =	simm.s32 $0x40;
	s9 =	simm.s32 $0x0  }
.LBB2_6:
0x47: {  	p0 =	sne.s32 s8, $0x13C0;
	[tilespmem:s9+$0x1A8A0] =	vst v1;
	s9 =	smov.u32 s8;
	s8 =	sadd.s32 $0x40, s8  }
.Ltmp2:
0x48: {  	(pc) =	sbr.rel @p0 .LBB2_6-.Ltmp2, $2  }
0x49: {  	_ =	sdelay $0x2  }
0x4a: {  	s9 =	sshra.s32 s9, $0x2  }
0x4b: {  	[tilespmem:s9+$0x1A8A0] =	vst v1  }
0x4c: {  	[spmem:s7] =	stream.linear.scatter [tilespmem:s28], [sflag:$0x2], $0x2800, $0x38;
	[tilespmem:$0x1FDA0] =	vst v63  }
0x4d: {  	_ =	swait.ge [sflag:s26], $0x2800  }
0x4e: {  	[sflag:s26] =	ssyncset.done $0x0  }
0x4f: {  	[sflag:s26] =	ssyncadd.s32 $0xFFFFD800  }
0x50: {  	s8 =	sadd.s32 $0x0, s24;
	[bflag:$0x0] =	sbarrier.arrive $0xFFFF  }
0x51: {  	[tilespmem:s5], [sflag:$0x2] =	stream.linear.gather [hbm4b:s8+s5], $0x50, $0x38;
	[tilespmem:$0x1FDA0] =	vst v63  }
0x52: {  	_ =	swait.ge [sflag:s26], $0x50  }
0x53: {  	[sflag:s26] =	ssyncset.done $0x0  }
0x54: {  	[sflag:s26] =	ssyncadd.s32 $0xFFFFFFB0  }
0x55: {  	[tilespmem:s30], [sflag:$0x1] =	stream.indirect.gather [hbm4b:s0+s29], $0x80, s5, s29, $0xb8;
	[tilespmem:$0x1FDA0] =	vst v63  }
0x56: {  	_ =	swait.ge [sflag:s31], $0x2800  }
0x57: {  	[sflag:s31] =	ssyncset.done $0x0  }
0x58: {  	s12 =	sadd.s32 $0x0, s23;
	[sflag:s31] =	ssyncadd.s32 $0xFFFFD800  }
0x59: {  	[tilespmem:s29], [sflag:$0x2] =	stream.linear.gather [hbm4b:s12+s5], $0x50, $0x38;
	[tilespmem:$0x1FDA0] =	vst v63  }
0x5a: {  	_ =	swait.ge [sflag:s26], $0x50  }
0x5b: {  	[sflag:s26] =	ssyncset.done $0x0  }
0x5c: {  	[sflag:s26] =	ssyncadd.s32 $0xFFFFFFB0  }
0x5d: {  	[spmem:s3] =	stream.indirect.scatter.add.f32 [tilespmem:s30], [sflag:$0x2], $0x80, s29, s29, $0xb8;
	[tilespmem:$0x1FDA0] =	vst v63  }
0x5e: {  	_ =	swait.ge [sflag:s26], $0x2800  }
0x5f: {  	[sflag:s26] =	ssyncset.done $0x0  }
0x60: {  	[sflag:s26] =	ssyncadd.s32 $0xFFFFD800  }
0x61: {  	[spmem:s4] =	stream.indirect.scatter.add.f32 [tilespmem:s2], [sflag:$0x2], $0x10, s29, s29, $0xb8;
	[tilespmem:$0x1FDA0] =	vst v63  }
0x62: {  	_ =	swait.ge [sflag:s26], $0x500  }
0x63: {  	s9 =	simm.s32 $0x14;
	s8 =	simm.s32 $0xA;
	[sflag:s26] =	ssyncset.done $0x0  }
.LBB2_8:
0x64: {  	s10 =	sadd.s32 s8, s24  }
0x65: {  	[sflag:s26] =	ssyncadd.s32 $0xFFFFFB00;
	s11 =	smov.u32 s9;
	s12 =	sadd.s32 $0xA, s9  }
0x66: {  	[tilespmem:s5], [sflag:$0x2] =	stream.linear.gather [hbm4b:s10+s5], $0x50, $0x38;
	[tilespmem:$0x1FDA0] =	vst v63  }
0x67: {  	p0 =	sne.s32 s9, $0x4D8;
	_ =	swait.ge [sflag:s26], $0x50  }
0x68: {  	[sflag:s26] =	ssyncset.done $0x0  }
0x69: {  	[sflag:s26] =	ssyncadd.s32 $0xFFFFFFB0  }
0x6a: {  	[tilespmem:s30], [sflag:$0x1] =	stream.indirect.gather [hbm4b:s0+s29], $0x80, s5, s29, $0xb8;
	[tilespmem:$0x1FDA0] =	vst v63  }
0x6b: {  	_ =	swait.ge [sflag:s31], $0x2800  }
0x6c: {  	[sflag:s31] =	ssyncset.done $0x0  }
0x6d: {  	s9 =	sadd.s32 s8, s23;
	s8 =	smov.u32 s11;
	[sflag:s31] =	ssyncadd.s32 $0xFFFFD800  }
0x6e: {  	[tilespmem:s29], [sflag:$0x2] =	stream.linear.gather [hbm4b:s9+s5], $0x50, $0x38;
	[tilespmem:$0x1FDA0] =	vst v63  }
0x6f: {  	_ =	swait.ge [sflag:s26], $0x50  }
0x70: {  	[sflag:s26] =	ssyncset.done $0x0  }
0x71: {  	[sflag:s26] =	ssyncadd.s32 $0xFFFFFFB0  }
0x72: {  	[spmem:s3] =	stream.indirect.scatter.add.f32 [tilespmem:s30], [sflag:$0x2], $0x80, s29, s29, $0xb8;
	[tilespmem:$0x1FDA0] =	vst v63  }
0x73: {  	_ =	swait.ge [sflag:s26], $0x2800  }
.Ltmp3:
0x74: {  	[sflag:s26] =	ssyncset.done $0x0;
	(pc) =	sbr.rel @p0 .LBB2_8-.Ltmp3, $4  }
0x75: {  	[sflag:s26] =	ssyncadd.s32 $0xFFFFD800  }
0x76: {  	[spmem:s4] =	stream.indirect.scatter.add.f32 [tilespmem:s2], [sflag:$0x2], $0x10, s29, s29, $0xb8;
	[tilespmem:$0x1FDA0] =	vst v63  }
0x77: {  	_ =	swait.ge [sflag:s26], $0x500  }
0x78: {  	s9 =	smov.u32 s12;
	[sflag:s26] =	ssyncset.done $0x0  }
0x79: {  	s9 =	sadd.s32 s8, s24;
	[sflag:s26] =	ssyncadd.s32 $0xFFFFFB00  }
0x7a: {  	[tilespmem:s5], [sflag:$0x2] =	stream.linear.gather [hbm4b:s9+s5], $0x50, $0x38;
	[tilespmem:$0x1FDA0] =	vst v63  }
0x7b: {  	_ =	swait.ge [sflag:s26], $0x50  }
0x7c: {  	[sflag:s26] =	ssyncset.done $0x0  }
0x7d: {  	[sflag:s26] =	ssyncadd.s32 $0xFFFFFFB0  }
0x7e: {  	[tilespmem:s30], [sflag:$0x1] =	stream.indirect.gather [hbm4b:s0+s29], $0x80, s5, s29, $0xb8;
	[tilespmem:$0x1FDA0] =	vst v63  }
0x7f: {  	_ =	swait.ge [sflag:s31], $0x2800  }
0x80: {  	[sflag:s31] =	ssyncset.done $0x0  }
0x81: {  	s10 =	sadd.s32 s8, s23;
	[sflag:s31] =	ssyncadd.s32 $0xFFFFD800  }
0x82: {  	[tilespmem:s29], [sflag:$0x2] =	stream.linear.gather [hbm4b:s10+s5], $0x50, $0x38;
	[tilespmem:$0x1FDA0] =	vst v63  }
0x83: {  	_ =	swait.ge [sflag:s26], $0x50  }
0x84: {  	[sflag:s26] =	ssyncset.done $0x0  }
0x85: {  	[sflag:s26] =	ssyncadd.s32 $0xFFFFFFB0  }
0x86: {  	[spmem:s3] =	stream.indirect.scatter.add.f32 [tilespmem:s30], [sflag:$0x2], $0x80, s29, s29, $0xb8;
	[tilespmem:$0x1FDA0] =	vst v63  }
0x87: {  	_ =	swait.ge [sflag:s26], $0x2800  }
0x88: {  	[sflag:s26] =	ssyncset.done $0x0  }
0x89: {  	[sflag:s26] =	ssyncadd.s32 $0xFFFFD800  }
0x8a: {  	[spmem:s4] =	stream.indirect.scatter.add.f32 [tilespmem:s2], [sflag:$0x2], $0x10, s29, s29, $0xb8;
	[tilespmem:$0x1FDA0] =	vst v63  }
0x8b: {  	_ =	swait.ge [sflag:s26], $0x500  }
0x8c: {  	[sflag:s26] =	ssyncset.done $0x0  }
0x8d: {  	[sflag:s26] =	ssyncadd.s32 $0xFFFFFB00  }
0x8e: {  	[bflag:$0x0] =	sbarrier.arrive $0xFFFF  }
0x8f: {  	[tilespmem:s25], [sflag:$0x2] =	stream.linear.gather [spmem:s6], $0x4000, $0x38;
	[tilespmem:$0x1FDA0] =	vst v63  }
0x90: {  	_ =	swait.ge [sflag:s26], $0x4000  }
0x91: {  	[sflag:s26] =	ssyncset.done $0x0  }
0x92: {  	[sflag:s26] =	ssyncadd.s32 $0xFFFFC000  }
0x93: {  	[hbm4b:s14+s5] =	stream.linear.scatter [tilespmem:s25], [sflag:$0x2], $0x4000, $0x38;
	[tilespmem:$0x1FDA0] =	vst v63  }
0x94: {  	_ =	swait.ge [sflag:s26], $0x4000  }
0x95: {  	[sflag:s26] =	ssyncset.done $0x0  }
0x96: {  	[sflag:s26] =	ssyncadd.s32 $0xFFFFC000  }
0x97: {  	[tilespmem:s25], [sflag:$0x2] =	stream.linear.gather [spmem:s15], $0x4000, $0x38;
	[tilespmem:$0x1FDA0] =	vst v63  }
0x98: {  	_ =	swait.ge [sflag:s26], $0x4000  }
0x99: {  	[sflag:s26] =	ssyncset.done $0x0  }
0x9a: {  	[sflag:s26] =	ssyncadd.s32 $0xFFFFC000  }
0x9b: {  	[hbm4b:s16+s5] =	stream.linear.scatter [tilespmem:s25], [sflag:$0x2], $0x4000, $0x38;
	[tilespmem:$0x1FDA0] =	vst v63  }
0x9c: {  	_ =	swait.ge [sflag:s26], $0x4000  }
0x9d: {  	[sflag:s26] =	ssyncset.done $0x0  }
0x9e: {  	[sflag:s26] =	ssyncadd.s32 $0xFFFFC000  }
0x9f: {  	[tilespmem:s25], [sflag:$0x2] =	stream.linear.gather [spmem:s17], $0x4000, $0x38;
	[tilespmem:$0x1FDA0] =	vst v63  }
0xa0: {  	_ =	swait.ge [sflag:s26], $0x4000  }
0xa1: {  	[sflag:s26] =	ssyncset.done $0x0  }
0xa2: {  	[sflag:s26] =	ssyncadd.s32 $0xFFFFC000  }
0xa3: {  	[hbm4b:s18+s5] =	stream.linear.scatter [tilespmem:s25], [sflag:$0x2], $0x4000, $0x38;
	[tilespmem:$0x1FDA0] =	vst v63  }
0xa4: {  	_ =	swait.ge [sflag:s26], $0x4000  }
0xa5: {  	[sflag:s26] =	ssyncset.done $0x0  }
0xa6: {  	[sflag:s26] =	ssyncadd.s32 $0xFFFFC000  }
0xa7: {  	[tilespmem:s25], [sflag:$0x2] =	stream.linear.gather [spmem:s19], $0x4000, $0x38;
	[tilespmem:$0x1FDA0] =	vst v63  }
0xa8: {  	_ =	swait.ge [sflag:s26], $0x4000  }
0xa9: {  	[sflag:s26] =	ssyncset.done $0x0  }
0xaa: {  	[sflag:s26] =	ssyncadd.s32 $0xFFFFC000  }
0xab: {  	[hbm4b:s20+s5] =	stream.linear.scatter [tilespmem:s25], [sflag:$0x2], $0x4000, $0x38;
	[tilespmem:$0x1FDA0] =	vst v63  }
0xac: {  	_ =	swait.ge [sflag:s26], $0x4000  }
0xad: {  	[sflag:s26] =	ssyncset.done $0x0  }
0xae: {  	[sflag:s26] =	ssyncadd.s32 $0xFFFFC000  }
0xaf: {  	[tilespmem:s25], [sflag:$0x2] =	stream.linear.gather [spmem:s21], $0x4000, $0x38;
	[tilespmem:$0x1FDA0] =	vst v63  }
0xb0: {  	_ =	swait.ge [sflag:s26], $0x4000  }
0xb1: {  	[sflag:s26] =	ssyncset.done $0x0  }
0xb2: {  	[sflag:s26] =	ssyncadd.s32 $0xFFFFC000  }
0xb3: {  	[hbm4b:s22+s5] =	stream.linear.scatter [tilespmem:s25], [sflag:$0x2], $0x4000, $0x38;
	[tilespmem:$0x1FDA0] =	vst v63  }
0xb4: {  	_ =	swait.ge [sflag:s26], $0x4000  }
0xb5: {  	[sflag:s26] =	ssyncset.done $0x0  }
0xb6: {  	[sflag:s26] =	ssyncadd.s32 $0xFFFFC000  }
0xb7: {  	[tilespmem:s28], [sflag:$0x2] =	stream.linear.gather [spmem:s7], $0x2800, $0x38;
	[tilespmem:$0x1FDA0] =	vst v63  }
0xb8: {  	_ =	swait.ge [sflag:s26], $0x2800  }
0xb9: {  	[sflag:s26] =	ssyncset.done $0x0  }
0xba: {  	s11 =	rddreg [dreg:$0x5];
	[sflag:s26] =	ssyncadd.s32 $0xFFFFD800  }
0xbb: {  	[hbm4b:s11+s5] =	stream.linear.scatter [tilespmem:s28], [sflag:$0x2], $0x2800, $0x38;
	[tilespmem:$0x1FDA0] =	vst v63  }
0xbc: {  	_ =	swait.ge [sflag:s26], $0x2800  }
0xbd: {  	s1 =	sadd.s32 $0x1, s1;
	s12 =	rddreg [dreg:$0x6]  }
0xbe: {  	p0 =	sne.s32 s1, s12  }
.Ltmp4:
0xbf: {  	_ = 	snop;
	(pc) =	sbr.rel @p0 .LBB2_1-.Ltmp4, $3  }
0xc0: {  	_ =	sdelay $0x1  }
0xc1: {  	[sflag:s26] =	ssyncset.done $0x0  }
0xc2: {  	[sflag:s26] =	ssyncadd.s32 $0xFFFFD800  }
0xc3: {  	_ =	sfence.sel $0x180000  }
0xc4: {  	[bflag:$0x0] =	sbarrier.arrive $0xFFFF  }
0xc5: {  	_ =	strace $0x90000047  }
0xc6: {  	s0 =	stileid.u32;
	[bflag:$0x2] =	sbarrier.arrive $0xFFFF  }
0xc7: {  	p0 =	sne.s32 s0, $0x0;
	s0 =	rddreg [dreg:$0x4]  }
0xc8: {  	s0 =	sadd.s32 @!p0 $0x100000, s0  }
0xc9: {  	[sflag:s0] =	ssyncadd.tile.s32 @!p0 $0x1;
	_ =	shalt  }
.Lfunc_end2:
_tile_overlayer_lowered:
.L_overlay_start_2:
0xca: {  	(tag) =	ssettag $0x2  }
0xcb: {  	s0 =	rddreg [dreg:$0x0];
	s2 =	stileid.u32  }
0xcc: {  	s1 =	rddreg [dreg:$0x1];
	p0 =	sne.s32 s2, $0x0  }
0xcd: {  	s3 =	rddreg [dreg:$0x2];
	[bflag:$0x3] =	sbarrier.arrive $0xFFFF;
	s2 =	simm.s32 @!p0 $0x1C02  }
0xce: {  	[timem:s3], [sflag:s2] =	dma.local @!p0 [hbm:s0], s1  }
0xcf: {  	s0 =	simm.s32 @!p0 $0x2  }
0xd0: {  	_ =	swait.ge @!p0 [sflag:s0], s1  }
0xd1: {  	s1 =	ssub.s32 @!p0 $0x0, s1;
	[sflag:s0] =	ssyncset.done @!p0 $0x0  }
0xd2: {  	[sflag:s0] =	ssyncadd.s32 @!p0 s1  }
0xd3: {  	[bflag:$0x3] =	sbarrier.arrive $0xFFFF  }
0xd4: {  	_ =	shalt  }

</sc_bundles>
